<compile_context>
chip_gen: v7x
topology: tpu7x:2x2x1
jax: 0.10.2.dev20260603
libtpu: 0.0.44.dev20260713+nightly
codegen_flags: <defaults>
</compile_context>

<pallas_src>
import functools

import jax
import jax.numpy as jnp
from jax import lax
from jax.experimental import pallas as pl
from jax.experimental.pallas import tpu as pltpu
from jax.experimental.pallas import tpu_sc as plsc

N = 10000
E = 320000
D = 128
NC, NS, L = 2, 16, 16
NW = NC * NS
EPW = E // NW
CH = 50
NCH = EPW // CH
NG = 5
GCH = NCH // NG
RB = 5
ZR = 8
NZCH = N // ZR
WR = 80
NWCH = N // WR

_mesh = plsc.VectorSubcoreMesh(
    core_axis_name="c", subcore_axis_name="s", num_cores=NC, num_subcores=NS
)


@functools.partial(
    pl.kernel,
    out_type=jax.ShapeDtypeStruct((NW, N), jnp.float32),
    mesh=_mesh,
    scratch_types=[
        pltpu.VMEM((GCH, CH), jnp.int32),
        pltpu.VMEM((N,), jnp.float32),
    ],
    compiler_params=pltpu.CompilerParams(needs_layout_passes=False),
)
def _degree_kernel(edge_hbm, deg_out, dst_v, deg_v):
    wid = lax.axis_index("s") * NC + lax.axis_index("c")

    zeros = jnp.zeros((L,), jnp.float32)

    def zrow(i, carry):
        deg_v[pl.ds(i * L, L)] = zeros
        return carry

    lax.fori_loop(0, N // L, zrow, 0)

    ones = jnp.ones((L,), jnp.float32)
    tail_mask = lax.iota(jnp.int32, L) >= ((CH // L) * L - (CH - L))

    def group(g, carry):
        pltpu.sync_copy(edge_hbm.at[1, wid, g], dst_v)

        def body(i, carry2):
            for kk in range(CH // L):
                idx = dst_v[i, pl.ds(kk * L, L)]
                plsc.addupdate_scatter(deg_v, [idx], ones)
            idx = dst_v[i, pl.ds(CH - L, L)]
            plsc.addupdate_scatter(deg_v, [idx], ones, mask=tail_mask)
            return carry2

        lax.fori_loop(0, GCH, body, 0)
        return carry

    lax.fori_loop(0, NG, group, 0)
    pltpu.sync_copy(deg_v, deg_out.at[wid])


@functools.partial(
    pl.kernel,
    out_type=jax.ShapeDtypeStruct((NC, N, D), jnp.float32),
    mesh=_mesh,
    scratch_types=[
        pltpu.VMEM((GCH, CH), jnp.int32),
        pltpu.VMEM((GCH, CH), jnp.int32),
        pltpu.VMEM((RB, CH, D), jnp.float32),
        pltpu.VMEM((ZR, D), jnp.float32),
        pltpu.VMEM_SHARED((N, D), jnp.float32),
        [pltpu.SemaphoreType.DMA] * RB,
        [pltpu.SemaphoreType.DMA] * RB,
    ],
    compiler_params=pltpu.CompilerParams(needs_layout_passes=False),
)
def _agg_kernel(z_hbm, edge_hbm, agg_out,
                src_v, dst_v, rows_v, zb_v, acc_sh, gsems, ssems):
    cid = lax.axis_index("c")
    sid = lax.axis_index("s")
    wid = sid * NC + cid

    zeros = jnp.zeros((L,), jnp.float32)

    def zbody(k, carry):
        r = k // (D // L)
        c = (k % (D // L)) * L
        zb_v[r, pl.ds(c, L)] = zeros
        return carry

    lax.fori_loop(0, ZR * (D // L), zbody, 0)

    def zstripe(k, carry):
        cidx = sid + NS * k

        @pl.when(cidx < NZCH)
        def _():
            off = pl.multiple_of(cidx * ZR, 8)
            pltpu.sync_copy(zb_v, acc_sh.at[pl.ds(off, ZR)])

        return carry

    lax.fori_loop(0, (NZCH + NS - 1) // NS, zstripe, 0)
    plsc.subcore_barrier()

    def group(g, carry):
        pltpu.sync_copy(edge_hbm.at[0, wid, g], src_v)
        pltpu.sync_copy(edge_hbm.at[1, wid, g], dst_v)
        for b in range(RB):
            pltpu.async_copy(z_hbm.at[src_v.at[b]], rows_v.at[b], gsems[b])

        def ring(r, carry2):
            j0 = RB * r
            descs = []
            for b in range(RB):
                j = j0 + b
                pltpu.make_async_copy(
                    z_hbm.at[src_v.at[j]], rows_v.at[b], gsems[b]).wait()
                descs.append(pltpu.async_copy(
                    rows_v.at[b], acc_sh.at[dst_v.at[j]], ssems[b], add=True))
            for b in range(RB):
                j = j0 + b
                descs[b].wait()

                @pl.when(j + RB < GCH)
                def _():
                    pltpu.async_copy(
                        z_hbm.at[src_v.at[j + RB]], rows_v.at[b], gsems[b])

            return carry2

        lax.fori_loop(0, GCH // RB, ring, 0)
        return carry

    lax.fori_loop(0, NG, group, 0)

    plsc.subcore_barrier()

    def wstripe(k, carry):
        cidx = sid + NS * k

        @pl.when(cidx < NWCH)
        def _():
            off = pl.multiple_of(cidx * WR, 8)
            pltpu.sync_copy(
                acc_sh.at[pl.ds(off, WR)],
                agg_out.at[cid].at[pl.ds(off, WR)],
            )

        return carry

    lax.fori_loop(0, (NWCH + NS - 1) // NS, wstripe, 0)


BLK = 2000


def _prep_body(x_ref, degp_ref, z_ref, norm_ref):
    deg = jnp.sum(degp_ref[...], axis=1, keepdims=True)
    norm = lax.rsqrt(jnp.maximum(deg, 1.0))
    z_ref[...] = x_ref[...] * norm
    norm_ref[...] = norm


def _prep(x, degp_t):
    grid = (N // BLK,)
    return pl.pallas_call(
        _prep_body,
        grid=grid,
        in_specs=[
            pl.BlockSpec((BLK, D), lambda i: (i, 0)),
            pl.BlockSpec((BLK, NW), lambda i: (i, 0)),
        ],
        out_specs=[
            pl.BlockSpec((BLK, D), lambda i: (i, 0)),
            pl.BlockSpec((BLK, 1), lambda i: (i, 0)),
        ],
        out_shape=[
            jax.ShapeDtypeStruct((N, D), jnp.float32),
            jax.ShapeDtypeStruct((N, 1), jnp.float32),
        ],
    )(x, degp_t)


def _final_body(x_ref, agg_ref, norm_ref, w0t_ref, w1t_ref, b_ref, out_ref):
    a = (agg_ref[0] + agg_ref[1]) * norm_ref[...]
    p = jnp.dot(x_ref[...], w0t_ref[...], preferred_element_type=jnp.float32)
    out_ref[...] = p + b_ref[...] - jnp.dot(
        a, w1t_ref[...], preferred_element_type=jnp.float32
    )


def _final(x, agg, norm, w0t, w1t, b2):
    grid = (N // BLK,)
    return pl.pallas_call(
        _final_body,
        grid=grid,
        in_specs=[
            pl.BlockSpec((BLK, D), lambda i: (i, 0)),
            pl.BlockSpec((NC, BLK, D), lambda i: (0, i, 0)),
            pl.BlockSpec((BLK, 1), lambda i: (i, 0)),
            pl.BlockSpec((D, D), lambda i: (0, 0)),
            pl.BlockSpec((D, D), lambda i: (0, 0)),
            pl.BlockSpec((1, D), lambda i: (0, 0)),
        ],
        out_specs=pl.BlockSpec((BLK, D), lambda i: (i, 0)),
        out_shape=jax.ShapeDtypeStruct((N, D), jnp.float32),
    )(x, agg, norm, w0t, w1t, b2)


def kernel(inputs, edge_index, W, b):
    edge5 = edge_index.astype(jnp.int32).reshape(2, NW, NG, GCH, CH)

    degp = _degree_kernel(edge5)
    degp_t = degp.T

    w0t = W[:, :D].T
    w1t = W[:, D:].T
    z, norm = _prep(inputs, degp_t)

    agg = _agg_kernel(z, edge5)
    out = _final(inputs, agg, norm, w0t, w1t, b.reshape(1, D))
    return out

# --- scband reference (transcript-rebuilt; emitter-appended) ---
"""Pipeline reference for scband-cheb-conv-model-33354716021174 (READ-ONLY COPY).

The authoritative reference and input builder live on the scoring server;
editing this copy changes nothing except your own understanding.
"""

import jax, jax.numpy as jnp
import numpy as np

N_NODES = 10000
N_EDGES = 320000
D_IN = 128
D_OUT = 128
K = 2


def setup_inputs(seed: int = 0) -> dict:
    key = jax.random.key(seed)
    k1, k2, k3 = jax.random.split(key, 3)
    inputs = jax.random.normal(k1, (N_NODES, D_IN), dtype=jnp.float32)
    edge_index = jax.random.randint(k2, (2, N_EDGES), 0, N_NODES, dtype=jnp.int32)
    # Linear(k * in_feats, out_feats) parameters of DGL ChebConv
    W = jax.random.normal(k3, (D_OUT, K * D_IN), dtype=jnp.float32) * 0.05
    b = jnp.zeros((D_OUT,), dtype=jnp.float32)
    return {"inputs": inputs, "edge_index": edge_index, "W": W, "b": b}


def reference(inputs, edge_index, W, b):
    # DGL-style ChebConv with k=2 and default lambda_max=2.
    # L_hat = 2L/lambda_max - I = -D^{-1/2} A D^{-1/2} when lambda_max=2.
    N = inputs.shape[0]
    src = edge_index[0]
    dst = edge_index[1]
    ones = jnp.ones((src.shape[0],), dtype=jnp.float32)
    deg = jax.ops.segment_sum(ones, dst, num_segments=N)  # in-degrees
    norm = jnp.power(jnp.clip(deg, 1.0), -0.5)[:, None]  # D^{-1/2}, clamp(min=1)

    def unn_laplacian_part(feat):
        # computes D^{-1/2} A D^{-1/2} feat via message passing (gather + scatter-add)
        h = feat * norm
        agg = jax.ops.segment_sum(h[src], dst, num_segments=N)
        return agg * norm

    # Chebyshev basis: X_0 = X; X_1 = L_hat X = -A_hat X (lambda_max=2 => re_norm=1)
    X0 = inputs
    X1 = -unn_laplacian_part(X0)
    Xt = jnp.concatenate([X0, X1], axis=1)  # [N, k*in_feats]
    out = Xt @ W.T + b
    return out

if __name__ == "__main__":
    import jax
    _d = setup_inputs()
    print(jax.jit(kernel)(*tuple(_d.values())))

</pallas_src>

<mosaic_0001>
#map = affine_map<(d0, d1) -> (0, 0, 0, 0, 0)>
#map1 = affine_map<(d0, d1) -> (0, 0)>
module attributes {stable_mosaic.version = 14 : i64} {
  func.func @_degree_kernel(%arg0: i32, %arg1: i32, %arg2: memref<2x32x5x40x50xi32, #tpu.memory_space<hbm>>, %arg3: memref<32x10000xf32, #tpu.memory_space<hbm>>, %arg4: memref<40x50xi32, #tpu.memory_space<vmem>>, %arg5: memref<10000xf32, #tpu.memory_space<vmem>>) attributes {dimension_semantics = [#tpu.dimension_semantics<core_parallel>, #tpu.dimension_semantics<subcore_parallel>], iteration_bounds = array<i64: 2, 16>, scalar_prefetch = 0 : i64, scratch_operands = 2 : i64, tpu.core_type = #tpu.core_type<sc_vector_subcore>, window_params = [{transform_indices = #map}, {transform_indices = #map1}]} {
    %mul3A = arith.constant 2 : i32
    %mul3A_0 = arith.muli %arg1, %mul3A : i32
    %add3A = arith.addi %mul3A_0, %arg0 : i32
    %broadcast_in_dim3A = arith.constant 0.000000e+00 : f32
    %broadcast_in_dim3A_1 = vector.broadcast %broadcast_in_dim3A : f32 to vector<16xf32>
    %scan3A = arith.constant 0 : i32
    %scan3A_2 = arith.constant 0 : i32
    %scan3A_3 = arith.constant 625 : i32
    %scan3A_4 = arith.addi %scan3A_2, %scan3A_3 : i32
    %scan3A_5 = arith.constant 1 : i32
    scf.for %scan3A_17 = %scan3A_2 to %scan3A_4 step %scan3A_5  : i32 {
      %mul3A_18 = arith.constant 16 : i32
      %mul3A_19 = arith.muli %scan3A_17, %mul3A_18 : i32
      %swap3A = arith.index_cast %mul3A_19 : i32 to index
      %swap3A_20 = tpu.vector_load %arg5[%swap3A] {strides = array<i32>} : memref<10000xf32, #tpu.memory_space<vmem>>, vector<16xf32>,
      tpu.vector_store %arg5[%swap3A], %broadcast_in_dim3A_1 {strides = array<i32>} : memref<10000xf32, #tpu.memory_space<vmem>>, vector<16xf32>,
    }
    %scan3A_6 = arith.constant 625 : i32
    %broadcast_in_dim3A_7 = arith.constant 1.000000e+00 : f32
    %broadcast_in_dim3A_8 = vector.broadcast %broadcast_in_dim3A_7 : f32 to vector<16xf32>
    %iota3A = tpu.iota {dimensions = array<i32: 0>} : vector<16xi32>
    %ge3A = arith.constant 14 : i32
    %ge3A_9 = vector.broadcast %ge3A : i32 to vector<16xi32>
    %ge3A_10 = arith.cmpi sge, %iota3A, %ge3A_9 : vector<16xi32>
    %scan3A_11 = arith.constant 0 : i32
    %scan3A_12 = arith.constant 0 : i32
    %scan3A_13 = arith.constant 5 : i32
    %scan3A_14 = arith.addi %scan3A_12, %scan3A_13 : i32
    %scan3A_15 = arith.constant 1 : i32
    scf.for %scan3A_17 = %scan3A_12 to %scan3A_14 step %scan3A_15  : i32 {
      %run_scoped3A = arith.constant 1 : i32
      "tpu.region"() ({
        %run_scoped3A_24 = tpu.sem_alloc : memref<!tpu.dma_semaphore, #tpu.memory_space<semaphore_mem>>
        %dma_start3A = arith.constant 0 : i32
        %dma_start3A_25 = arith.constant 0 : i32
        %dma_start3A_26 = tpu.memref_slice %arg2[%run_scoped3A, %add3A, %scan3A_17, %dma_start3A, %dma_start3A_25] : memref<2x32x5x40x50xi32, #tpu.memory_space<hbm>> -> memref<1x1x1x40x50xi32, #tpu.memory_space<hbm>>
        %dma_start3A_27 = tpu.memref_squeeze %dma_start3A_26 : memref<1x1x1x40x50xi32, #tpu.memory_space<hbm>> -> memref<40x50xi32, #tpu.memory_space<hbm>>
        %dma_start3A_28 = arith.constant 0 : i32
        %dma_start3A_29 = arith.constant 0 : i32
        %dma_start3A_30 = tpu.memref_slice %arg2[%run_scoped3A, %add3A, %scan3A_17, %dma_start3A_28, %dma_start3A_29] : memref<2x32x5x40x50xi32, #tpu.memory_space<hbm>> -> memref<1x1x1x40x50xi32, #tpu.memory_space<hbm>>
        %dma_start3A_31 = tpu.memref_squeeze %dma_start3A_30 : memref<1x1x1x40x50xi32, #tpu.memory_space<hbm>> -> memref<40x50xi32, #tpu.memory_space<hbm>>
        tpu.enqueue_dma source(%dma_start3A_31 : memref<40x50xi32, #tpu.memory_space<hbm>>) target(%arg4 : memref<40x50xi32, #tpu.memory_space<vmem>>) target_semaphore(%run_scoped3A_24 : memref<!tpu.dma_semaphore, #tpu.memory_space<semaphore_mem>>)
        %dma_wait3A = arith.constant 0 : i32
        %dma_wait3A_32 = arith.constant 0 : i32
        %dma_wait3A_33 = tpu.memref_slice %arg2[%run_scoped3A, %add3A, %scan3A_17, %dma_wait3A, %dma_wait3A_32] : memref<2x32x5x40x50xi32, #tpu.memory_space<hbm>> -> memref<1x1x1x40x50xi32, #tpu.memory_space<hbm>>
        %dma_wait3A_34 = tpu.memref_squeeze %dma_wait3A_33 : memref<1x1x1x40x50xi32, #tpu.memory_space<hbm>> -> memref<40x50xi32, #tpu.memory_space<hbm>>
        %dma_wait3A_35 = arith.constant 0 : i32
        %dma_wait3A_36 = arith.constant 0 : i32
        %dma_wait3A_37 = tpu.memref_slice %arg2[%run_scoped3A, %add3A, %scan3A_17, %dma_wait3A_35, %dma_wait3A_36] : memref<2x32x5x40x50xi32, #tpu.memory_space<hbm>> -> memref<1x1x1x40x50xi32, #tpu.memory_space<hbm>>
        %dma_wait3A_38 = tpu.memref_squeeze %dma_wait3A_37 : memref<1x1x1x40x50xi32, #tpu.memory_space<hbm>> -> memref<40x50xi32, #tpu.memory_space<hbm>>
        tpu.wait_dma2 semaphore(%run_scoped3A_24 : memref<!tpu.dma_semaphore, #tpu.memory_space<semaphore_mem>>) src(%dma_wait3A_38 : memref<40x50xi32, #tpu.memory_space<hbm>>) dst(%arg4 : memref<40x50xi32, #tpu.memory_space<vmem>>)
        tpu.yield
      }) : () -> ()
      %scan3A_18 = arith.constant 0 : i32
      %scan3A_19 = arith.constant 0 : i32
      %scan3A_20 = arith.constant 40 : i32
      %scan3A_21 = arith.addi %scan3A_19, %scan3A_20 : i32
      %scan3A_22 = arith.constant 1 : i32
      scf.for %scan3A_24 = %scan3A_19 to %scan3A_21 step %scan3A_22  : i32 {
        %get3A = arith.index_cast %scan3A_24 : i32 to index
        %get3A_25 = arith.constant 0 : index
        %get3A_26 = tpu.vector_load %arg4[%get3A, %get3A_25] {strides = array<i32>} : memref<40x50xi32, #tpu.memory_space<vmem>>, vector<16xi32>,
        tpu.vector_store_idx %arg5[%get3A_26], %broadcast_in_dim3A_8 {add = true} : memref<10000xf32, #tpu.memory_space<vmem>>[vector<16xi32>], vector<16xf32>,
        %get3A_27 = arith.index_cast %scan3A_24 : i32 to index
        %get3A_28 = arith.constant 16 : index
        %get3A_29 = tpu.vector_load %arg4[%get3A_27, %get3A_28] {strides = array<i32>} : memref<40x50xi32, #tpu.memory_space<vmem>>, vector<16xi32>,
        tpu.vector_store_idx %arg5[%get3A_29], %broadcast_in_dim3A_8 {add = true} : memref<10000xf32, #tpu.memory_space<vmem>>[vector<16xi32>], vector<16xf32>,
        %get3A_30 = arith.index_cast %scan3A_24 : i32 to index
        %get3A_31 = arith.constant 32 : index
        %get3A_32 = tpu.vector_load %arg4[%get3A_30, %get3A_31] {strides = array<i32>} : memref<40x50xi32, #tpu.memory_space<vmem>>, vector<16xi32>,
        tpu.vector_store_idx %arg5[%get3A_32], %broadcast_in_dim3A_8 {add = true} : memref<10000xf32, #tpu.memory_space<vmem>>[vector<16xi32>], vector<16xf32>,
        %get3A_33 = arith.index_cast %scan3A_24 : i32 to index
        %get3A_34 = arith.constant 34 : index
        %get3A_35 = tpu.vector_load %arg4[%get3A_33, %get3A_34] {strides = array<i32>} : memref<40x50xi32, #tpu.memory_space<vmem>>, vector<16xi32>,
        tpu.vector_store_idx %arg5[%get3A_35], %broadcast_in_dim3A_8 masked %ge3A_10 {add = true} : memref<10000xf32, #tpu.memory_space<vmem>>[vector<16xi32>], vector<16xf32>, vector<16xi1>
      }
      %scan3A_23 = arith.constant 40 : i32
    }
    %scan3A_16 = arith.constant 5 : i32
    "tpu.region"() ({
      %run_scoped3A = tpu.sem_alloc : memref<!tpu.dma_semaphore, #tpu.memory_space<semaphore_mem>>
      %dma_start3A = arith.constant 0 : i32
      %dma_start3A_17 = tpu.memref_slice %arg3[%add3A, %dma_start3A] : memref<32x10000xf32, #tpu.memory_space<hbm>> -> memref<1x10000xf32, #tpu.memory_space<hbm>>
      %dma_start3A_18 = tpu.memref_squeeze %dma_start3A_17 : memref<1x10000xf32, #tpu.memory_space<hbm>> -> memref<10000xf32, #tpu.memory_space<hbm>>
      %dma_start3A_19 = arith.constant 0 : i32
      %dma_start3A_20 = tpu.memref_slice %arg3[%add3A, %dma_start3A_19] : memref<32x10000xf32, #tpu.memory_space<hbm>> -> memref<1x10000xf32, #tpu.memory_space<hbm>>
      %dma_start3A_21 = tpu.memref_squeeze %dma_start3A_20 : memref<1x10000xf32, #tpu.memory_space<hbm>> -> memref<10000xf32, #tpu.memory_space<hbm>>
      tpu.enqueue_dma source(%arg5 : memref<10000xf32, #tpu.memory_space<vmem>>) target(%dma_start3A_21 : memref<10000xf32, #tpu.memory_space<hbm>>) target_semaphore(%run_scoped3A : memref<!tpu.dma_semaphore, #tpu.memory_space<semaphore_mem>>)
      %dma_wait3A = arith.constant 0 : i32
      %dma_wait3A_22 = tpu.memref_slice %arg3[%add3A, %dma_wait3A] : memref<32x10000xf32, #tpu.memory_space<hbm>> -> memref<1x10000xf32, #tpu.memory_space<hbm>>
      %dma_wait3A_23 = tpu.memref_squeeze %dma_wait3A_22 : memref<1x10000xf32, #tpu.memory_space<hbm>> -> memref<10000xf32, #tpu.memory_space<hbm>>
      %dma_wait3A_24 = arith.constant 0 : i32
      %dma_wait3A_25 = tpu.memref_slice %arg3[%add3A, %dma_wait3A_24] : memref<32x10000xf32, #tpu.memory_space<hbm>> -> memref<1x10000xf32, #tpu.memory_space<hbm>>
      %dma_wait3A_26 = tpu.memref_squeeze %dma_wait3A_25 : memref<1x10000xf32, #tpu.memory_space<hbm>> -> memref<10000xf32, #tpu.memory_space<hbm>>
      tpu.wait_dma2 semaphore(%run_scoped3A : memref<!tpu.dma_semaphore, #tpu.memory_space<semaphore_mem>>) src(%arg5 : memref<10000xf32, #tpu.memory_space<vmem>>) dst(%dma_wait3A_26 : memref<10000xf32, #tpu.memory_space<hbm>>)
      tpu.yield
    }) : () -> ()
    return
  }
}

#map = affine_map<(d0, d1) -> (0, 0)>
#map1 = affine_map<(d0, d1) -> (0, 0, 0, 0, 0)>
#map2 = affine_map<(d0, d1) -> (0, 0, 0)>
module attributes {stable_mosaic.version = 14 : i64} {
  func.func @_agg_kernel(%arg0: i32, %arg1: i32, %arg2: memref<10000x128xf32, #tpu.memory_space<hbm>>, %arg3: memref<2x32x5x40x50xi32, #tpu.memory_space<hbm>>, %arg4: memref<2x10000x128xf32, #tpu.memory_space<hbm>>, %arg5: memref<40x50xi32, #tpu.memory_space<vmem>>, %arg6: memref<40x50xi32, #tpu.memory_space<vmem>>, %arg7: memref<5x50x128xf32, #tpu.memory_space<vmem>>, %arg8: memref<8x128xf32, #tpu.memory_space<vmem>>, %arg9: memref<10000x128xf32, #tpu.memory_space<vmem_shared>>, %arg10: memref<!tpu.dma_semaphore, #tpu.memory_space<semaphore_mem>>, %arg11: memref<!tpu.dma_semaphore, #tpu.memory_space<semaphore_mem>>, %arg12: memref<!tpu.dma_semaphore, #tpu.memory_space<semaphore_mem>>, %arg13: memref<!tpu.dma_semaphore, #tpu.memory_space<semaphore_mem>>, %arg14: memref<!tpu.dma_semaphore, #tpu.memory_space<semaphore_mem>>, %arg15: memref<!tpu.dma_semaphore, #tpu.memory_space<semaphore_mem>>, %arg16: memref<!tpu.dma_semaphore, #tpu.memory_space<semaphore_mem>>, %arg17: memref<!tpu.dma_semaphore, #tpu.memory_space<semaphore_mem>>, %arg18: memref<!tpu.dma_semaphore, #tpu.memory_space<semaphore_mem>>, %arg19: memref<!tpu.dma_semaphore, #tpu.memory_space<semaphore_mem>>) attributes {dimension_semantics = [#tpu.dimension_semantics<core_parallel>, #tpu.dimension_semantics<subcore_parallel>], iteration_bounds = array<i64: 2, 16>, scalar_prefetch = 0 : i64, scratch_operands = 15 : i64, tpu.core_type = #tpu.core_type<sc_vector_subcore>, window_params = [{transform_indices = #map}, {transform_indices = #map1}, {transform_indices = #map2}]} {
    %mul3A = arith.constant 2 : i32
    %mul3A_0 = arith.muli %arg1, %mul3A : i32
    %add3A = arith.addi %mul3A_0, %arg0 : i32
    %broadcast_in_dim3A = arith.constant 0.000000e+00 : f32
    %broadcast_in_dim3A_1 = vector.broadcast %broadcast_in_dim3A : f32 to vector<16xf32>
    %scan3A = arith.constant 0 : i32
    %scan3A_2 = arith.constant 0 : i32
    %scan3A_3 = arith.constant 64 : i32
    %scan3A_4 = arith.addi %scan3A_2, %scan3A_3 : i32
    %scan3A_5 = arith.constant 1 : i32
    scf.for %scan3A_26 = %scan3A_2 to %scan3A_4 step %scan3A_5  : i32 {
      %jit3A = arith.constant 8 : i32
      %div3A = arith.divsi %scan3A_26, %jit3A : i32
      %sign3A = arith.constant 0 : i32
      %sign3A_27 = arith.cmpi sgt, %scan3A_26, %sign3A : i32
      %sign3A_28 = arith.extui %sign3A_27 : i1 to i32
      %sign3A_29 = arith.constant 0 : i32
      %sign3A_30 = arith.cmpi slt, %scan3A_26, %sign3A_29 : i32
      %sign3A_31 = arith.extui %sign3A_30 : i1 to i32
      %sign3A_32 = arith.subi %sign3A_28, %sign3A_31 : i32
      %sign3A_33 = arith.constant 0 : i32
      %sign3A_34 = arith.cmpi sgt, %jit3A, %sign3A_33 : i32
      %sign3A_35 = arith.extui %sign3A_34 : i1 to i32
      %sign3A_36 = arith.constant 0 : i32
      %sign3A_37 = arith.cmpi slt, %jit3A, %sign3A_36 : i32
      %sign3A_38 = arith.extui %sign3A_37 : i1 to i32
      %sign3A_39 = arith.subi %sign3A_35, %sign3A_38 : i32
      %ne3A = arith.cmpi ne, %sign3A_32, %sign3A_39 : i32
      %rem3A = arith.remsi %scan3A_26, %jit3A : i32
      %ne3A_40 = arith.constant 0 : i32
      %ne3A_41 = arith.cmpi ne, %rem3A, %ne3A_40 : i32
      %and3A = arith.andi %ne3A, %ne3A_41 : i1
      %sub3A = arith.constant 1 : i32
      %sub3A_42 = arith.subi %div3A, %sub3A : i32
      %select_n3A = arith.select %and3A, %sub3A_42, %div3A : i32
      %jit3A_43 = arith.constant 8 : i32
      %eq3A = arith.constant 0 : i32
      %eq3A_44 = arith.cmpi eq, %jit3A_43, %eq3A : i32
      %jit3A_45 = arith.constant 1 : i32
      %select_n3A_46 = arith.select %eq3A_44, %jit3A_45, %jit3A_43 : i32
      %rem3A_47 = arith.remsi %scan3A_26, %select_n3A_46 : i32
      %ne3A_48 = arith.constant 0 : i32
      %ne3A_49 = arith.cmpi ne, %rem3A_47, %ne3A_48 : i32
      %lt3A = arith.constant 0 : i32
      %lt3A_50 = arith.cmpi slt, %rem3A_47, %lt3A : i32
      %lt3A_51 = arith.constant 0 : i32
      %lt3A_52 = arith.cmpi slt, %select_n3A_46, %lt3A_51 : i32
      %ne3A_53 = arith.xori %lt3A_50, %lt3A_52 : i1
      %and3A_54 = arith.andi %ne3A_53, %ne3A_49 : i1
      %add3A_55 = arith.addi %rem3A_47, %select_n3A_46 : i32
      %select_n3A_56 = arith.select %and3A_54, %add3A_55, %rem3A_47 : i32
      %mul3A_57 = arith.constant 16 : i32
      %mul3A_58 = arith.muli %select_n3A_56, %mul3A_57 : i32
      %swap3A = arith.index_cast %select_n3A : i32 to index
      %swap3A_59 = arith.index_cast %mul3A_58 : i32 to index
      %swap3A_60 = tpu.vector_load %arg8[%swap3A, %swap3A_59] {strides = array<i32>} : memref<8x128xf32, #tpu.memory_space<vmem>>, vector<16xf32>,
      tpu.vector_store %arg8[%swap3A, %swap3A_59], %broadcast_in_dim3A_1 {strides = array<i32>} : memref<8x128xf32, #tpu.memory_space<vmem>>, vector<16xf32>,
    }
    %scan3A_6 = arith.constant 64 : i32
    %scan3A_7 = arith.constant 0 : i32
    %scan3A_8 = arith.constant 0 : i32
    %scan3A_9 = arith.constant 79 : i32
    %scan3A_10 = arith.addi %scan3A_8, %scan3A_9 : i32
    %scan3A_11 = arith.constant 1 : i32
    scf.for %scan3A_26 = %scan3A_8 to %scan3A_10 step %scan3A_11  : i32 {
      %mul3A_27 = arith.constant 16 : i32
      %mul3A_28 = arith.muli %mul3A_27, %scan3A_26 : i32
      %add3A_29 = arith.addi %arg1, %mul3A_28 : i32
      %lt3A = arith.constant 1250 : i32
      %lt3A_30 = arith.cmpi slt, %add3A_29, %lt3A : i32
      %convert_element_type3A = arith.extui %lt3A_30 : i1 to i32
      %cond3A = arith.constant 0 : i32
      %cond3A_31 = arith.cmpi ne, %convert_element_type3A, %cond3A : i32
      scf.if %cond3A_31 {
        %mul3A_32 = arith.constant 8 : i32
        %mul3A_33 = arith.muli %add3A_29, %mul3A_32 : i32
        %multiple_of3A = tpu.assume_multiple %mul3A_33, 8 : i32
        "tpu.region"() ({
          %run_scoped3A = tpu.sem_alloc : memref<!tpu.dma_semaphore, #tpu.memory_space<semaphore_mem>>
          %dma_start3A = arith.constant 0 : i32
          %dma_start3A_34 = tpu.memref_slice %arg9[%multiple_of3A, %dma_start3A] : memref<10000x128xf32, #tpu.memory_space<vmem_shared>> -> memref<8x128xf32, #tpu.memory_space<vmem_shared>>
          %dma_start3A_35 = arith.constant 0 : i32
          %dma_start3A_36 = tpu.memref_slice %arg9[%multiple_of3A, %dma_start3A_35] : memref<10000x128xf32, #tpu.memory_space<vmem_shared>> -> memref<8x128xf32, #tpu.memory_space<vmem_shared>>
          tpu.enqueue_dma source(%arg8 : memref<8x128xf32, #tpu.memory_space<vmem>>) target(%dma_start3A_36 : memref<8x128xf32, #tpu.memory_space<vmem_shared>>) target_semaphore(%run_scoped3A : memref<!tpu.dma_semaphore, #tpu.memory_space<semaphore_mem>>)
          %dma_wait3A = arith.constant 0 : i32
          %dma_wait3A_37 = tpu.memref_slice %arg9[%multiple_of3A, %dma_wait3A] : memref<10000x128xf32, #tpu.memory_space<vmem_shared>> -> memref<8x128xf32, #tpu.memory_space<vmem_shared>>
          %dma_wait3A_38 = arith.constant 0 : i32
          %dma_wait3A_39 = tpu.memref_slice %arg9[%multiple_of3A, %dma_wait3A_38] : memref<10000x128xf32, #tpu.memory_space<vmem_shared>> -> memref<8x128xf32, #tpu.memory_space<vmem_shared>>
          tpu.wait_dma2 semaphore(%run_scoped3A : memref<!tpu.dma_semaphore, #tpu.memory_space<semaphore_mem>>) src(%arg8 : memref<8x128xf32, #tpu.memory_space<vmem>>) dst(%dma_wait3A_39 : memref<8x128xf32, #tpu.memory_space<vmem_shared>>)
          tpu.yield
        }) : () -> ()
      } else {
      }
    }
    %scan3A_12 = arith.constant 79 : i32
    %barrier3A = arith.constant 0 : index
    tpu.barrier barrier_id(%barrier3A)
    %scan3A_13 = arith.constant 0 : i32
    %scan3A_14 = arith.constant 0 : i32
    %scan3A_15 = arith.constant 5 : i32
    %scan3A_16 = arith.addi %scan3A_14, %scan3A_15 : i32
    %scan3A_17 = arith.constant 1 : i32
    scf.for %scan3A_26 = %scan3A_14 to %scan3A_16 step %scan3A_17  : i32 {
      %run_scoped3A = arith.constant 0 : i32
      "tpu.region"() ({
        %run_scoped3A_93 = tpu.sem_alloc : memref<!tpu.dma_semaphore, #tpu.memory_space<semaphore_mem>>
        %dma_start3A_94 = arith.constant 0 : i32
        %dma_start3A_95 = arith.constant 0 : i32
        %dma_start3A_96 = tpu.memref_slice %arg3[%run_scoped3A, %add3A, %scan3A_26, %dma_start3A_94, %dma_start3A_95] : memref<2x32x5x40x50xi32, #tpu.memory_space<hbm>> -> memref<1x1x1x40x50xi32, #tpu.memory_space<hbm>>
        %dma_start3A_97 = tpu.memref_squeeze %dma_start3A_96 : memref<1x1x1x40x50xi32, #tpu.memory_space<hbm>> -> memref<40x50xi32, #tpu.memory_space<hbm>>
        %dma_start3A_98 = arith.constant 0 : i32
        %dma_start3A_99 = arith.constant 0 : i32
        %dma_start3A_100 = tpu.memref_slice %arg3[%run_scoped3A, %add3A, %scan3A_26, %dma_start3A_98, %dma_start3A_99] : memref<2x32x5x40x50xi32, #tpu.memory_space<hbm>> -> memref<1x1x1x40x50xi32, #tpu.memory_space<hbm>>
        %dma_start3A_101 = tpu.memref_squeeze %dma_start3A_100 : memref<1x1x1x40x50xi32, #tpu.memory_space<hbm>> -> memref<40x50xi32, #tpu.memory_space<hbm>>
        tpu.enqueue_dma source(%dma_start3A_101 : memref<40x50xi32, #tpu.memory_space<hbm>>) target(%arg5 : memref<40x50xi32, #tpu.memory_space<vmem>>) target_semaphore(%run_scoped3A_93 : memref<!tpu.dma_semaphore, #tpu.memory_space<semaphore_mem>>)
        %dma_wait3A = arith.constant 0 : i32
        %dma_wait3A_102 = arith.constant 0 : i32
        %dma_wait3A_103 = tpu.memref_slice %arg3[%run_scoped3A, %add3A, %scan3A_26, %dma_wait3A, %dma_wait3A_102] : memref<2x32x5x40x50xi32, #tpu.memory_space<hbm>> -> memref<1x1x1x40x50xi32, #tpu.memory_space<hbm>>
        %dma_wait3A_104 = tpu.memref_squeeze %dma_wait3A_103 : memref<1x1x1x40x50xi32, #tpu.memory_space<hbm>> -> memref<40x50xi32, #tpu.memory_space<hbm>>
        %dma_wait3A_105 = arith.constant 0 : i32
        %dma_wait3A_106 = arith.constant 0 : i32
        %dma_wait3A_107 = tpu.memref_slice %arg3[%run_scoped3A, %add3A, %scan3A_26, %dma_wait3A_105, %dma_wait3A_106] : memref<2x32x5x40x50xi32, #tpu.memory_space<hbm>> -> memref<1x1x1x40x50xi32, #tpu.memory_space<hbm>>
        %dma_wait3A_108 = tpu.memref_squeeze %dma_wait3A_107 : memref<1x1x1x40x50xi32, #tpu.memory_space<hbm>> -> memref<40x50xi32, #tpu.memory_space<hbm>>
        tpu.wait_dma2 semaphore(%run_scoped3A_93 : memref<!tpu.dma_semaphore, #tpu.memory_space<semaphore_mem>>) src(%dma_wait3A_108 : memref<40x50xi32, #tpu.memory_space<hbm>>) dst(%arg5 : memref<40x50xi32, #tpu.memory_space<vmem>>)
        tpu.yield
      }) : () -> ()
      %run_scoped3A_27 = arith.constant 1 : i32
      "tpu.region"() ({
        %run_scoped3A_93 = tpu.sem_alloc : memref<!tpu.dma_semaphore, #tpu.memory_space<semaphore_mem>>
        %dma_start3A_94 = arith.constant 0 : i32
        %dma_start3A_95 = arith.constant 0 : i32
        %dma_start3A_96 = tpu.memref_slice %arg3[%run_scoped3A_27, %add3A, %scan3A_26, %dma_start3A_94, %dma_start3A_95] : memref<2x32x5x40x50xi32, #tpu.memory_space<hbm>> -> memref<1x1x1x40x50xi32, #tpu.memory_space<hbm>>
        %dma_start3A_97 = tpu.memref_squeeze %dma_start3A_96 : memref<1x1x1x40x50xi32, #tpu.memory_space<hbm>> -> memref<40x50xi32, #tpu.memory_space<hbm>>
        %dma_start3A_98 = arith.constant 0 : i32
        %dma_start3A_99 = arith.constant 0 : i32
        %dma_start3A_100 = tpu.memref_slice %arg3[%run_scoped3A_27, %add3A, %scan3A_26, %dma_start3A_98, %dma_start3A_99] : memref<2x32x5x40x50xi32, #tpu.memory_space<hbm>> -> memref<1x1x1x40x50xi32, #tpu.memory_space<hbm>>
        %dma_start3A_101 = tpu.memref_squeeze %dma_start3A_100 : memref<1x1x1x40x50xi32, #tpu.memory_space<hbm>> -> memref<40x50xi32, #tpu.memory_space<hbm>>
        tpu.enqueue_dma source(%dma_start3A_101 : memref<40x50xi32, #tpu.memory_space<hbm>>) target(%arg6 : memref<40x50xi32, #tpu.memory_space<vmem>>) target_semaphore(%run_scoped3A_93 : memref<!tpu.dma_semaphore, #tpu.memory_space<semaphore_mem>>)
        %dma_wait3A = arith.constant 0 : i32
        %dma_wait3A_102 = arith.constant 0 : i32
        %dma_wait3A_103 = tpu.memref_slice %arg3[%run_scoped3A_27, %add3A, %scan3A_26, %dma_wait3A, %dma_wait3A_102] : memref<2x32x5x40x50xi32, #tpu.memory_space<hbm>> -> memref<1x1x1x40x50xi32, #tpu.memory_space<hbm>>
        %dma_wait3A_104 = tpu.memref_squeeze %dma_wait3A_103 : memref<1x1x1x40x50xi32, #tpu.memory_space<hbm>> -> memref<40x50xi32, #tpu.memory_space<hbm>>
        %dma_wait3A_105 = arith.constant 0 : i32
        %dma_wait3A_106 = arith.constant 0 : i32
        %dma_wait3A_107 = tpu.memref_slice %arg3[%run_scoped3A_27, %add3A, %scan3A_26, %dma_wait3A_105, %dma_wait3A_106] : memref<2x32x5x40x50xi32, #tpu.memory_space<hbm>> -> memref<1x1x1x40x50xi32, #tpu.memory_space<hbm>>
        %dma_wait3A_108 = tpu.memref_squeeze %dma_wait3A_107 : memref<1x1x1x40x50xi32, #tpu.memory_space<hbm>> -> memref<40x50xi32, #tpu.memory_space<hbm>>
        tpu.wait_dma2 semaphore(%run_scoped3A_93 : memref<!tpu.dma_semaphore, #tpu.memory_space<semaphore_mem>>) src(%dma_wait3A_108 : memref<40x50xi32, #tpu.memory_space<hbm>>) dst(%arg6 : memref<40x50xi32, #tpu.memory_space<vmem>>)
        tpu.yield
      }) : () -> ()
      %dma_start3A = arith.constant 0 : i32
      %dma_start3A_28 = arith.constant 0 : i32
      %dma_start3A_29 = arith.constant 0 : i32
      %dma_start3A_30 = arith.constant 0 : i32
      %dma_start3A_31 = tpu.memref_slice %arg7[%dma_start3A_28, %dma_start3A_29, %dma_start3A_30] : memref<5x50x128xf32, #tpu.memory_space<vmem>> -> memref<1x50x128xf32, #tpu.memory_space<vmem>>
      %dma_start3A_32 = tpu.memref_squeeze %dma_start3A_31 : memref<1x50x128xf32, #tpu.memory_space<vmem>> -> memref<50x128xf32, #tpu.memory_space<vmem>>
      %dma_start3A_33 = arith.constant 0 : i32
      %dma_start3A_34 = tpu.memref_slice %arg5[%dma_start3A, %dma_start3A_33] : memref<40x50xi32, #tpu.memory_space<vmem>> -> memref<1x50xi32, #tpu.memory_space<vmem>>
      %dma_start3A_35 = tpu.memref_squeeze %dma_start3A_34 : memref<1x50xi32, #tpu.memory_space<vmem>> -> memref<50xi32, #tpu.memory_space<vmem>>
      %dma_start3A_36 = arith.constant 0 : i32
      %dma_start3A_37 = arith.constant 0 : i32
      %dma_start3A_38 = tpu.memref_slice %arg2[%dma_start3A_36, %dma_start3A_37] : memref<10000x128xf32, #tpu.memory_space<hbm>> -> memref<10000x128xf32, #tpu.memory_space<hbm>>
      tpu.enqueue_indirect_dma source(%dma_start3A_38 : memref<10000x128xf32, #tpu.memory_space<hbm>>) target(%dma_start3A_32 : memref<50x128xf32, #tpu.memory_space<vmem>>) offsets(%dma_start3A_35 : memref<50xi32, #tpu.memory_space<vmem>>) semaphore(%arg10 : memref<!tpu.dma_semaphore, #tpu.memory_space<semaphore_mem>>)
      %dma_start3A_39 = arith.constant 1 : i32
      %dma_start3A_40 = arith.constant 1 : i32
      %dma_start3A_41 = arith.constant 0 : i32
      %dma_start3A_42 = arith.constant 0 : i32
      %dma_start3A_43 = tpu.memref_slice %arg7[%dma_start3A_40, %dma_start3A_41, %dma_start3A_42] : memref<5x50x128xf32, #tpu.memory_space<vmem>> -> memref<1x50x128xf32, #tpu.memory_space<vmem>>
      %dma_start3A_44 = tpu.memref_squeeze %dma_start3A_43 : memref<1x50x128xf32, #tpu.memory_space<vmem>> -> memref<50x128xf32, #tpu.memory_space<vmem>>
      %dma_start3A_45 = arith.constant 0 : i32
      %dma_start3A_46 = tpu.memref_slice %arg5[%dma_start3A_39, %dma_start3A_45] : memref<40x50xi32, #tpu.memory_space<vmem>> -> memref<1x50xi32, #tpu.memory_space<vmem>>
      %dma_start3A_47 = tpu.memref_squeeze %dma_start3A_46 : memref<1x50xi32, #tpu.memory_space<vmem>> -> memref<50xi32, #tpu.memory_space<vmem>>
      %dma_start3A_48 = arith.constant 0 : i32
      %dma_start3A_49 = arith.constant 0 : i32
      %dma_start3A_50 = tpu.memref_slice %arg2[%dma_start3A_48, %dma_start3A_49] : memref<10000x128xf32, #tpu.memory_space<hbm>> -> memref<10000x128xf32, #tpu.memory_space<hbm>>
      tpu.enqueue_indirect_dma source(%dma_start3A_50 : memref<10000x128xf32, #tpu.memory_space<hbm>>) target(%dma_start3A_44 : memref<50x128xf32, #tpu.memory_space<vmem>>) offsets(%dma_start3A_47 : memref<50xi32, #tpu.memory_space<vmem>>) semaphore(%arg11 : memref<!tpu.dma_semaphore, #tpu.memory_space<semaphore_mem>>)
      %dma_start3A_51 = arith.constant 2 : i32
      %dma_start3A_52 = arith.constant 2 : i32
      %dma_start3A_53 = arith.constant 0 : i32
      %dma_start3A_54 = arith.constant 0 : i32
      %dma_start3A_55 = tpu.memref_slice %arg7[%dma_start3A_52, %dma_start3A_53, %dma_start3A_54] : memref<5x50x128xf32, #tpu.memory_space<vmem>> -> memref<1x50x128xf32, #tpu.memory_space<vmem>>
      %dma_start3A_56 = tpu.memref_squeeze %dma_start3A_55 : memref<1x50x128xf32, #tpu.memory_space<vmem>> -> memref<50x128xf32, #tpu.memory_space<vmem>>
      %dma_start3A_57 = arith.constant 0 : i32
      %dma_start3A_58 = tpu.memref_slice %arg5[%dma_start3A_51, %dma_start3A_57] : memref<40x50xi32, #tpu.memory_space<vmem>> -> memref<1x50xi32, #tpu.memory_space<vmem>>
      %dma_start3A_59 = tpu.memref_squeeze %dma_start3A_58 : memref<1x50xi32, #tpu.memory_space<vmem>> -> memref<50xi32, #tpu.memory_space<vmem>>
      %dma_start3A_60 = arith.constant 0 : i32
      %dma_start3A_61 = arith.constant 0 : i32
      %dma_start3A_62 = tpu.memref_slice %arg2[%dma_start3A_60, %dma_start3A_61] : memref<10000x128xf32, #tpu.memory_space<hbm>> -> memref<10000x128xf32, #tpu.memory_space<hbm>>
      tpu.enqueue_indirect_dma source(%dma_start3A_62 : memref<10000x128xf32, #tpu.memory_space<hbm>>) target(%dma_start3A_56 : memref<50x128xf32, #tpu.memory_space<vmem>>) offsets(%dma_start3A_59 : memref<50xi32, #tpu.memory_space<vmem>>) semaphore(%arg12 : memref<!tpu.dma_semaphore, #tpu.memory_space<semaphore_mem>>)
      %dma_start3A_63 = arith.constant 3 : i32
      %dma_start3A_64 = arith.constant 3 : i32
      %dma_start3A_65 = arith.constant 0 : i32
      %dma_start3A_66 = arith.constant 0 : i32
      %dma_start3A_67 = tpu.memref_slice %arg7[%dma_start3A_64, %dma_start3A_65, %dma_start3A_66] : memref<5x50x128xf32, #tpu.memory_space<vmem>> -> memref<1x50x128xf32, #tpu.memory_space<vmem>>
      %dma_start3A_68 = tpu.memref_squeeze %dma_start3A_67 : memref<1x50x128xf32, #tpu.memory_space<vmem>> -> memref<50x128xf32, #tpu.memory_space<vmem>>
      %dma_start3A_69 = arith.constant 0 : i32
      %dma_start3A_70 = tpu.memref_slice %arg5[%dma_start3A_63, %dma_start3A_69] : memref<40x50xi32, #tpu.memory_space<vmem>> -> memref<1x50xi32, #tpu.memory_space<vmem>>
      %dma_start3A_71 = tpu.memref_squeeze %dma_start3A_70 : memref<1x50xi32, #tpu.memory_space<vmem>> -> memref<50xi32, #tpu.memory_space<vmem>>
      %dma_start3A_72 = arith.constant 0 : i32
      %dma_start3A_73 = arith.constant 0 : i32
      %dma_start3A_74 = tpu.memref_slice %arg2[%dma_start3A_72, %dma_start3A_73] : memref<10000x128xf32, #tpu.memory_space<hbm>> -> memref<10000x128xf32, #tpu.memory_space<hbm>>
      tpu.enqueue_indirect_dma source(%dma_start3A_74 : memref<10000x128xf32, #tpu.memory_space<hbm>>) target(%dma_start3A_68 : memref<50x128xf32, #tpu.memory_space<vmem>>) offsets(%dma_start3A_71 : memref<50xi32, #tpu.memory_space<vmem>>) semaphore(%arg13 : memref<!tpu.dma_semaphore, #tpu.memory_space<semaphore_mem>>)
      %dma_start3A_75 = arith.constant 4 : i32
      %dma_start3A_76 = arith.constant 4 : i32
      %dma_start3A_77 = arith.constant 0 : i32
      %dma_start3A_78 = arith.constant 0 : i32
      %dma_start3A_79 = tpu.memref_slice %arg7[%dma_start3A_76, %dma_start3A_77, %dma_start3A_78] : memref<5x50x128xf32, #tpu.memory_space<vmem>> -> memref<1x50x128xf32, #tpu.memory_space<vmem>>
      %dma_start3A_80 = tpu.memref_squeeze %dma_start3A_79 : memref<1x50x128xf32, #tpu.memory_space<vmem>> -> memref<50x128xf32, #tpu.memory_space<vmem>>
      %dma_start3A_81 = arith.constant 0 : i32
      %dma_start3A_82 = tpu.memref_slice %arg5[%dma_start3A_75, %dma_start3A_81] : memref<40x50xi32, #tpu.memory_space<vmem>> -> memref<1x50xi32, #tpu.memory_space<vmem>>
      %dma_start3A_83 = tpu.memref_squeeze %dma_start3A_82 : memref<1x50xi32, #tpu.memory_space<vmem>> -> memref<50xi32, #tpu.memory_space<vmem>>
      %dma_start3A_84 = arith.constant 0 : i32
      %dma_start3A_85 = arith.constant 0 : i32
      %dma_start3A_86 = tpu.memref_slice %arg2[%dma_start3A_84, %dma_start3A_85] : memref<10000x128xf32, #tpu.memory_space<hbm>> -> memref<10000x128xf32, #tpu.memory_space<hbm>>
      tpu.enqueue_indirect_dma source(%dma_start3A_86 : memref<10000x128xf32, #tpu.memory_space<hbm>>) target(%dma_start3A_80 : memref<50x128xf32, #tpu.memory_space<vmem>>) offsets(%dma_start3A_83 : memref<50xi32, #tpu.memory_space<vmem>>) semaphore(%arg14 : memref<!tpu.dma_semaphore, #tpu.memory_space<semaphore_mem>>)
      %scan3A_87 = arith.constant 0 : i32
      %scan3A_88 = arith.constant 0 : i32
      %scan3A_89 = arith.constant 8 : i32
      %scan3A_90 = arith.addi %scan3A_88, %scan3A_89 : i32
      %scan3A_91 = arith.constant 1 : i32
      scf.for %scan3A_93 = %scan3A_88 to %scan3A_90 step %scan3A_91  : i32 {
        %mul3A_94 = arith.constant 5 : i32
        %mul3A_95 = arith.muli %mul3A_94, %scan3A_93 : i32
        %add3A_96 = arith.constant 0 : i32
        %add3A_97 = arith.addi %mul3A_95, %add3A_96 : i32
        %dma_wait3A = arith.constant 0 : i32
        %dma_wait3A_98 = arith.constant 0 : i32
        %dma_wait3A_99 = arith.constant 0 : i32
        %dma_wait3A_100 = tpu.memref_slice %arg7[%dma_wait3A, %dma_wait3A_98, %dma_wait3A_99] : memref<5x50x128xf32, #tpu.memory_space<vmem>> -> memref<1x50x128xf32, #tpu.memory_space<vmem>>
        %dma_wait3A_101 = tpu.memref_squeeze %dma_wait3A_100 : memref<1x50x128xf32, #tpu.memory_space<vmem>> -> memref<50x128xf32, #tpu.memory_space<vmem>>
        %dma_wait3A_102 = arith.constant 0 : i32
        %dma_wait3A_103 = tpu.memref_slice %arg5[%add3A_97, %dma_wait3A_102] : memref<40x50xi32, #tpu.memory_space<vmem>> -> memref<1x50xi32, #tpu.memory_space<vmem>>
        %dma_wait3A_104 = tpu.memref_squeeze %dma_wait3A_103 : memref<1x50xi32, #tpu.memory_space<vmem>> -> memref<50xi32, #tpu.memory_space<vmem>>
        %dma_wait3A_105 = arith.constant 0 : i32
        %dma_wait3A_106 = arith.constant 0 : i32
        %dma_wait3A_107 = tpu.memref_slice %arg2[%dma_wait3A_105, %dma_wait3A_106] : memref<10000x128xf32, #tpu.memory_space<hbm>> -> memref<10000x128xf32, #tpu.memory_space<hbm>>
        tpu.wait_indirect_dma semaphore(%arg10 : memref<!tpu.dma_semaphore, #tpu.memory_space<semaphore_mem>>) src(%dma_wait3A_107 : memref<10000x128xf32, #tpu.memory_space<hbm>>) dst(%dma_wait3A_101 : memref<50x128xf32, #tpu.memory_space<vmem>>)
        %dma_start3A_108 = arith.constant 0 : i32
        %dma_start3A_109 = arith.constant 0 : i32
        %dma_start3A_110 = arith.constant 0 : i32
        %dma_start3A_111 = tpu.memref_slice %arg7[%dma_start3A_108, %dma_start3A_109, %dma_start3A_110] : memref<5x50x128xf32, #tpu.memory_space<vmem>> -> memref<1x50x128xf32, #tpu.memory_space<vmem>>
        %dma_start3A_112 = tpu.memref_squeeze %dma_start3A_111 : memref<1x50x128xf32, #tpu.memory_space<vmem>> -> memref<50x128xf32, #tpu.memory_space<vmem>>
        %dma_start3A_113 = arith.constant 0 : i32
        %dma_start3A_114 = tpu.memref_slice %arg6[%add3A_97, %dma_start3A_113] : memref<40x50xi32, #tpu.memory_space<vmem>> -> memref<1x50xi32, #tpu.memory_space<vmem>>
        %dma_start3A_115 = tpu.memref_squeeze %dma_start3A_114 : memref<1x50xi32, #tpu.memory_space<vmem>> -> memref<50xi32, #tpu.memory_space<vmem>>
        %dma_start3A_116 = arith.constant 0 : i32
        %dma_start3A_117 = arith.constant 0 : i32
        %dma_start3A_118 = tpu.memref_slice %arg9[%dma_start3A_116, %dma_start3A_117] : memref<10000x128xf32, #tpu.memory_space<vmem_shared>> -> memref<10000x128xf32, #tpu.memory_space<vmem_shared>>
        tpu.enqueue_indirect_dma source(%dma_start3A_112 : memref<50x128xf32, #tpu.memory_space<vmem>>) target(%dma_start3A_118 : memref<10000x128xf32, #tpu.memory_space<vmem_shared>>) offsets(%dma_start3A_115 : memref<50xi32, #tpu.memory_space<vmem>>) semaphore(%arg15 : memref<!tpu.dma_semaphore, #tpu.memory_space<semaphore_mem>>) {add = true}
        %add3A_119 = arith.constant 1 : i32
        %add3A_120 = arith.addi %mul3A_95, %add3A_119 : i32
        %dma_wait3A_121 = arith.constant 1 : i32
        %dma_wait3A_122 = arith.constant 0 : i32
        %dma_wait3A_123 = arith.constant 0 : i32
        %dma_wait3A_124 = tpu.memref_slice %arg7[%dma_wait3A_121, %dma_wait3A_122, %dma_wait3A_123] : memref<5x50x128xf32, #tpu.memory_space<vmem>> -> memref<1x50x128xf32, #tpu.memory_space<vmem>>
        %dma_wait3A_125 = tpu.memref_squeeze %dma_wait3A_124 : memref<1x50x128xf32, #tpu.memory_space<vmem>> -> memref<50x128xf32, #tpu.memory_space<vmem>>
        %dma_wait3A_126 = arith.constant 0 : i32
        %dma_wait3A_127 = tpu.memref_slice %arg5[%add3A_120, %dma_wait3A_126] : memref<40x50xi32, #tpu.memory_space<vmem>> -> memref<1x50xi32, #tpu.memory_space<vmem>>
        %dma_wait3A_128 = tpu.memref_squeeze %dma_wait3A_127 : memref<1x50xi32, #tpu.memory_space<vmem>> -> memref<50xi32, #tpu.memory_space<vmem>>
        %dma_wait3A_129 = arith.constant 0 : i32
        %dma_wait3A_130 = arith.constant 0 : i32
        %dma_wait3A_131 = tpu.memref_slice %arg2[%dma_wait3A_129, %dma_wait3A_130] : memref<10000x128xf32, #tpu.memory_space<hbm>> -> memref<10000x128xf32, #tpu.memory_space<hbm>>
        tpu.wait_indirect_dma semaphore(%arg11 : memref<!tpu.dma_semaphore, #tpu.memory_space<semaphore_mem>>) src(%dma_wait3A_131 : memref<10000x128xf32, #tpu.memory_space<hbm>>) dst(%dma_wait3A_125 : memref<50x128xf32, #tpu.memory_space<vmem>>)
        %dma_start3A_132 = arith.constant 1 : i32
        %dma_start3A_133 = arith.constant 0 : i32
        %dma_start3A_134 = arith.constant 0 : i32
        %dma_start3A_135 = tpu.memref_slice %arg7[%dma_start3A_132, %dma_start3A_133, %dma_start3A_134] : memref<5x50x128xf32, #tpu.memory_space<vmem>> -> memref<1x50x128xf32, #tpu.memory_space<vmem>>
        %dma_start3A_136 = tpu.memref_squeeze %dma_start3A_135 : memref<1x50x128xf32, #tpu.memory_space<vmem>> -> memref<50x128xf32, #tpu.memory_space<vmem>>
        %dma_start3A_137 = arith.constant 0 : i32
        %dma_start3A_138 = tpu.memref_slice %arg6[%add3A_120, %dma_start3A_137] : memref<40x50xi32, #tpu.memory_space<vmem>> -> memref<1x50xi32, #tpu.memory_space<vmem>>
        %dma_start3A_139 = tpu.memref_squeeze %dma_start3A_138 : memref<1x50xi32, #tpu.memory_space<vmem>> -> memref<50xi32, #tpu.memory_space<vmem>>
        %dma_start3A_140 = arith.constant 0 : i32
        %dma_start3A_141 = arith.constant 0 : i32
        %dma_start3A_142 = tpu.memref_slice %arg9[%dma_start3A_140, %dma_start3A_141] : memref<10000x128xf32, #tpu.memory_space<vmem_shared>> -> memref<10000x128xf32, #tpu.memory_space<vmem_shared>>
        tpu.enqueue_indirect_dma source(%dma_start3A_136 : memref<50x128xf32, #tpu.memory_space<vmem>>) target(%dma_start3A_142 : memref<10000x128xf32, #tpu.memory_space<vmem_shared>>) offsets(%dma_start3A_139 : memref<50xi32, #tpu.memory_space<vmem>>) semaphore(%arg16 : memref<!tpu.dma_semaphore, #tpu.memory_space<semaphore_mem>>) {add = true}
        %add3A_143 = arith.constant 2 : i32
        %add3A_144 = arith.addi %mul3A_95, %add3A_143 : i32
        %dma_wait3A_145 = arith.constant 2 : i32
        %dma_wait3A_146 = arith.constant 0 : i32
        %dma_wait3A_147 = arith.constant 0 : i32
        %dma_wait3A_148 = tpu.memref_slice %arg7[%dma_wait3A_145, %dma_wait3A_146, %dma_wait3A_147] : memref<5x50x128xf32, #tpu.memory_space<vmem>> -> memref<1x50x128xf32, #tpu.memory_space<vmem>>
        %dma_wait3A_149 = tpu.memref_squeeze %dma_wait3A_148 : memref<1x50x128xf32, #tpu.memory_space<vmem>> -> memref<50x128xf32, #tpu.memory_space<vmem>>
        %dma_wait3A_150 = arith.constant 0 : i32
        %dma_wait3A_151 = tpu.memref_slice %arg5[%add3A_144, %dma_wait3A_150] : memref<40x50xi32, #tpu.memory_space<vmem>> -> memref<1x50xi32, #tpu.memory_space<vmem>>
        %dma_wait3A_152 = tpu.memref_squeeze %dma_wait3A_151 : memref<1x50xi32, #tpu.memory_space<vmem>> -> memref<50xi32, #tpu.memory_space<vmem>>
        %dma_wait3A_153 = arith.constant 0 : i32
        %dma_wait3A_154 = arith.constant 0 : i32
        %dma_wait3A_155 = tpu.memref_slice %arg2[%dma_wait3A_153, %dma_wait3A_154] : memref<10000x128xf32, #tpu.memory_space<hbm>> -> memref<10000x128xf32, #tpu.memory_space<hbm>>
        tpu.wait_indirect_dma semaphore(%arg12 : memref<!tpu.dma_semaphore, #tpu.memory_space<semaphore_mem>>) src(%dma_wait3A_155 : memref<10000x128xf32, #tpu.memory_space<hbm>>) dst(%dma_wait3A_149 : memref<50x128xf32, #tpu.memory_space<vmem>>)
        %dma_start3A_156 = arith.constant 2 : i32
        %dma_start3A_157 = arith.constant 0 : i32
        %dma_start3A_158 = arith.constant 0 : i32
        %dma_start3A_159 = tpu.memref_slice %arg7[%dma_start3A_156, %dma_start3A_157, %dma_start3A_158] : memref<5x50x128xf32, #tpu.memory_space<vmem>> -> memref<1x50x128xf32, #tpu.memory_space<vmem>>
        %dma_start3A_160 = tpu.memref_squeeze %dma_start3A_159 : memref<1x50x128xf32, #tpu.memory_space<vmem>> -> memref<50x128xf32, #tpu.memory_space<vmem>>
        %dma_start3A_161 = arith.constant 0 : i32
        %dma_start3A_162 = tpu.memref_slice %arg6[%add3A_144, %dma_start3A_161] : memref<40x50xi32, #tpu.memory_space<vmem>> -> memref<1x50xi32, #tpu.memory_space<vmem>>
        %dma_start3A_163 = tpu.memref_squeeze %dma_start3A_162 : memref<1x50xi32, #tpu.memory_space<vmem>> -> memref<50xi32, #tpu.memory_space<vmem>>
        %dma_start3A_164 = arith.constant 0 : i32
        %dma_start3A_165 = arith.constant 0 : i32
        %dma_start3A_166 = tpu.memref_slice %arg9[%dma_start3A_164, %dma_start3A_165] : memref<10000x128xf32, #tpu.memory_space<vmem_shared>> -> memref<10000x128xf32, #tpu.memory_space<vmem_shared>>
        tpu.enqueue_indirect_dma source(%dma_start3A_160 : memref<50x128xf32, #tpu.memory_space<vmem>>) target(%dma_start3A_166 : memref<10000x128xf32, #tpu.memory_space<vmem_shared>>) offsets(%dma_start3A_163 : memref<50xi32, #tpu.memory_space<vmem>>) semaphore(%arg17 : memref<!tpu.dma_semaphore, #tpu.memory_space<semaphore_mem>>) {add = true}
        %add3A_167 = arith.constant 3 : i32
        %add3A_168 = arith.addi %mul3A_95, %add3A_167 : i32
        %dma_wait3A_169 = arith.constant 3 : i32
        %dma_wait3A_170 = arith.constant 0 : i32
        %dma_wait3A_171 = arith.constant 0 : i32
        %dma_wait3A_172 = tpu.memref_slice %arg7[%dma_wait3A_169, %dma_wait3A_170, %dma_wait3A_171] : memref<5x50x128xf32, #tpu.memory_space<vmem>> -> memref<1x50x128xf32, #tpu.memory_space<vmem>>
        %dma_wait3A_173 = tpu.memref_squeeze %dma_wait3A_172 : memref<1x50x128xf32, #tpu.memory_space<vmem>> -> memref<50x128xf32, #tpu.memory_space<vmem>>
        %dma_wait3A_174 = arith.constant 0 : i32
        %dma_wait3A_175 = tpu.memref_slice %arg5[%add3A_168, %dma_wait3A_174] : memref<40x50xi32, #tpu.memory_space<vmem>> -> memref<1x50xi32, #tpu.memory_space<vmem>>
        %dma_wait3A_176 = tpu.memref_squeeze %dma_wait3A_175 : memref<1x50xi32, #tpu.memory_space<vmem>> -> memref<50xi32, #tpu.memory_space<vmem>>
        %dma_wait3A_177 = arith.constant 0 : i32
        %dma_wait3A_178 = arith.constant 0 : i32
        %dma_wait3A_179 = tpu.memref_slice %arg2[%dma_wait3A_177, %dma_wait3A_178] : memref<10000x128xf32, #tpu.memory_space<hbm>> -> memref<10000x128xf32, #tpu.memory_space<hbm>>
        tpu.wait_indirect_dma semaphore(%arg13 : memref<!tpu.dma_semaphore, #tpu.memory_space<semaphore_mem>>) src(%dma_wait3A_179 : memref<10000x128xf32, #tpu.memory_space<hbm>>) dst(%dma_wait3A_173 : memref<50x128xf32, #tpu.memory_space<vmem>>)
        %dma_start3A_180 = arith.constant 3 : i32
        %dma_start3A_181 = arith.constant 0 : i32
        %dma_start3A_182 = arith.constant 0 : i32
        %dma_start3A_183 = tpu.memref_slice %arg7[%dma_start3A_180, %dma_start3A_181, %dma_start3A_182] : memref<5x50x128xf32, #tpu.memory_space<vmem>> -> memref<1x50x128xf32, #tpu.memory_space<vmem>>
        %dma_start3A_184 = tpu.memref_squeeze %dma_start3A_183 : memref<1x50x128xf32, #tpu.memory_space<vmem>> -> memref<50x128xf32, #tpu.memory_space<vmem>>
        %dma_start3A_185 = arith.constant 0 : i32
        %dma_start3A_186 = tpu.memref_slice %arg6[%add3A_168, %dma_start3A_185] : memref<40x50xi32, #tpu.memory_space<vmem>> -> memref<1x50xi32, #tpu.memory_space<vmem>>
        %dma_start3A_187 = tpu.memref_squeeze %dma_start3A_186 : memref<1x50xi32, #tpu.memory_space<vmem>> -> memref<50xi32, #tpu.memory_space<vmem>>
        %dma_start3A_188 = arith.constant 0 : i32
        %dma_start3A_189 = arith.constant 0 : i32
        %dma_start3A_190 = tpu.memref_slice %arg9[%dma_start3A_188, %dma_start3A_189] : memref<10000x128xf32, #tpu.memory_space<vmem_shared>> -> memref<10000x128xf32, #tpu.memory_space<vmem_shared>>
        tpu.enqueue_indirect_dma source(%dma_start3A_184 : memref<50x128xf32, #tpu.memory_space<vmem>>) target(%dma_start3A_190 : memref<10000x128xf32, #tpu.memory_space<vmem_shared>>) offsets(%dma_start3A_187 : memref<50xi32, #tpu.memory_space<vmem>>) semaphore(%arg18 : memref<!tpu.dma_semaphore, #tpu.memory_space<semaphore_mem>>) {add = true}
        %add3A_191 = arith.constant 4 : i32
        %add3A_192 = arith.addi %mul3A_95, %add3A_191 : i32
        %dma_wait3A_193 = arith.constant 4 : i32
        %dma_wait3A_194 = arith.constant 0 : i32
        %dma_wait3A_195 = arith.constant 0 : i32
        %dma_wait3A_196 = tpu.memref_slice %arg7[%dma_wait3A_193, %dma_wait3A_194, %dma_wait3A_195] : memref<5x50x128xf32, #tpu.memory_space<vmem>> -> memref<1x50x128xf32, #tpu.memory_space<vmem>>
        %dma_wait3A_197 = tpu.memref_squeeze %dma_wait3A_196 : memref<1x50x128xf32, #tpu.memory_space<vmem>> -> memref<50x128xf32, #tpu.memory_space<vmem>>
        %dma_wait3A_198 = arith.constant 0 : i32
        %dma_wait3A_199 = tpu.memref_slice %arg5[%add3A_192, %dma_wait3A_198] : memref<40x50xi32, #tpu.memory_space<vmem>> -> memref<1x50xi32, #tpu.memory_space<vmem>>
        %dma_wait3A_200 = tpu.memref_squeeze %dma_wait3A_199 : memref<1x50xi32, #tpu.memory_space<vmem>> -> memref<50xi32, #tpu.memory_space<vmem>>
        %dma_wait3A_201 = arith.constant 0 : i32
        %dma_wait3A_202 = arith.constant 0 : i32
        %dma_wait3A_203 = tpu.memref_slice %arg2[%dma_wait3A_201, %dma_wait3A_202] : memref<10000x128xf32, #tpu.memory_space<hbm>> -> memref<10000x128xf32, #tpu.memory_space<hbm>>
        tpu.wait_indirect_dma semaphore(%arg14 : memref<!tpu.dma_semaphore, #tpu.memory_space<semaphore_mem>>) src(%dma_wait3A_203 : memref<10000x128xf32, #tpu.memory_space<hbm>>) dst(%dma_wait3A_197 : memref<50x128xf32, #tpu.memory_space<vmem>>)
        %dma_start3A_204 = arith.constant 4 : i32
        %dma_start3A_205 = arith.constant 0 : i32
        %dma_start3A_206 = arith.constant 0 : i32
        %dma_start3A_207 = tpu.memref_slice %arg7[%dma_start3A_204, %dma_start3A_205, %dma_start3A_206] : memref<5x50x128xf32, #tpu.memory_space<vmem>> -> memref<1x50x128xf32, #tpu.memory_space<vmem>>
        %dma_start3A_208 = tpu.memref_squeeze %dma_start3A_207 : memref<1x50x128xf32, #tpu.memory_space<vmem>> -> memref<50x128xf32, #tpu.memory_space<vmem>>
        %dma_start3A_209 = arith.constant 0 : i32
        %dma_start3A_210 = tpu.memref_slice %arg6[%add3A_192, %dma_start3A_209] : memref<40x50xi32, #tpu.memory_space<vmem>> -> memref<1x50xi32, #tpu.memory_space<vmem>>
        %dma_start3A_211 = tpu.memref_squeeze %dma_start3A_210 : memref<1x50xi32, #tpu.memory_space<vmem>> -> memref<50xi32, #tpu.memory_space<vmem>>
        %dma_start3A_212 = arith.constant 0 : i32
        %dma_start3A_213 = arith.constant 0 : i32
        %dma_start3A_214 = tpu.memref_slice %arg9[%dma_start3A_212, %dma_start3A_213] : memref<10000x128xf32, #tpu.memory_space<vmem_shared>> -> memref<10000x128xf32, #tpu.memory_space<vmem_shared>>
        tpu.enqueue_indirect_dma source(%dma_start3A_208 : memref<50x128xf32, #tpu.memory_space<vmem>>) target(%dma_start3A_214 : memref<10000x128xf32, #tpu.memory_space<vmem_shared>>) offsets(%dma_start3A_211 : memref<50xi32, #tpu.memory_space<vmem>>) semaphore(%arg19 : memref<!tpu.dma_semaphore, #tpu.memory_space<semaphore_mem>>) {add = true}
        %add3A_215 = arith.constant 0 : i32
        %add3A_216 = arith.addi %mul3A_95, %add3A_215 : i32
        %dma_wait3A_217 = arith.constant 0 : i32
        %dma_wait3A_218 = arith.constant 0 : i32
        %dma_wait3A_219 = arith.constant 0 : i32
        %dma_wait3A_220 = tpu.memref_slice %arg7[%dma_wait3A_217, %dma_wait3A_218, %dma_wait3A_219] : memref<5x50x128xf32, #tpu.memory_space<vmem>> -> memref<1x50x128xf32, #tpu.memory_space<vmem>>
        %dma_wait3A_221 = tpu.memref_squeeze %dma_wait3A_220 : memref<1x50x128xf32, #tpu.memory_space<vmem>> -> memref<50x128xf32, #tpu.memory_space<vmem>>
        %dma_wait3A_222 = arith.constant 0 : i32
        %dma_wait3A_223 = tpu.memref_slice %arg6[%add3A_97, %dma_wait3A_222] : memref<40x50xi32, #tpu.memory_space<vmem>> -> memref<1x50xi32, #tpu.memory_space<vmem>>
        %dma_wait3A_224 = tpu.memref_squeeze %dma_wait3A_223 : memref<1x50xi32, #tpu.memory_space<vmem>> -> memref<50xi32, #tpu.memory_space<vmem>>
        %dma_wait3A_225 = arith.constant 0 : i32
        %dma_wait3A_226 = arith.constant 0 : i32
        %dma_wait3A_227 = tpu.memref_slice %arg9[%dma_wait3A_225, %dma_wait3A_226] : memref<10000x128xf32, #tpu.memory_space<vmem_shared>> -> memref<10000x128xf32, #tpu.memory_space<vmem_shared>>
        tpu.wait_indirect_dma semaphore(%arg15 : memref<!tpu.dma_semaphore, #tpu.memory_space<semaphore_mem>>) src(%dma_wait3A_221 : memref<50x128xf32, #tpu.memory_space<vmem>>) dst(%dma_wait3A_227 : memref<10000x128xf32, #tpu.memory_space<vmem_shared>>)
        %add3A_228 = arith.constant 5 : i32
        %add3A_229 = arith.addi %add3A_216, %add3A_228 : i32
        %lt3A = arith.constant 40 : i32
        %lt3A_230 = arith.cmpi slt, %add3A_229, %lt3A : i32
        %convert_element_type3A = arith.extui %lt3A_230 : i1 to i32
        %cond3A = arith.constant 0 : i32
        %cond3A_231 = arith.cmpi ne, %convert_element_type3A, %cond3A : i32
        scf.if %cond3A_231 {
          %add3A_312 = arith.constant 5 : i32
          %add3A_313 = arith.addi %add3A_216, %add3A_312 : i32
          %dma_start3A_314 = arith.constant 0 : i32
          %dma_start3A_315 = arith.constant 0 : i32
          %dma_start3A_316 = arith.constant 0 : i32
          %dma_start3A_317 = tpu.memref_slice %arg7[%dma_start3A_314, %dma_start3A_315, %dma_start3A_316] : memref<5x50x128xf32, #tpu.memory_space<vmem>> -> memref<1x50x128xf32, #tpu.memory_space<vmem>>
          %dma_start3A_318 = tpu.memref_squeeze %dma_start3A_317 : memref<1x50x128xf32, #tpu.memory_space<vmem>> -> memref<50x128xf32, #tpu.memory_space<vmem>>
          %dma_start3A_319 = arith.constant 0 : i32
          %dma_start3A_320 = tpu.memref_slice %arg5[%add3A_313, %dma_start3A_319] : memref<40x50xi32, #tpu.memory_space<vmem>> -> memref<1x50xi32, #tpu.memory_space<vmem>>
          %dma_start3A_321 = tpu.memref_squeeze %dma_start3A_320 : memref<1x50xi32, #tpu.memory_space<vmem>> -> memref<50xi32, #tpu.memory_space<vmem>>
          %dma_start3A_322 = arith.constant 0 : i32
          %dma_start3A_323 = arith.constant 0 : i32
          %dma_start3A_324 = tpu.memref_slice %arg2[%dma_start3A_322, %dma_start3A_323] : memref<10000x128xf32, #tpu.memory_space<hbm>> -> memref<10000x128xf32, #tpu.memory_space<hbm>>
          tpu.enqueue_indirect_dma source(%dma_start3A_324 : memref<10000x128xf32, #tpu.memory_space<hbm>>) target(%dma_start3A_318 : memref<50x128xf32, #tpu.memory_space<vmem>>) offsets(%dma_start3A_321 : memref<50xi32, #tpu.memory_space<vmem>>) semaphore(%arg10 : memref<!tpu.dma_semaphore, #tpu.memory_space<semaphore_mem>>)
        } else {
        }
        %add3A_232 = arith.constant 1 : i32
        %add3A_233 = arith.addi %mul3A_95, %add3A_232 : i32
        %dma_wait3A_234 = arith.constant 1 : i32
        %dma_wait3A_235 = arith.constant 0 : i32
        %dma_wait3A_236 = arith.constant 0 : i32
        %dma_wait3A_237 = tpu.memref_slice %arg7[%dma_wait3A_234, %dma_wait3A_235, %dma_wait3A_236] : memref<5x50x128xf32, #tpu.memory_space<vmem>> -> memref<1x50x128xf32, #tpu.memory_space<vmem>>
        %dma_wait3A_238 = tpu.memref_squeeze %dma_wait3A_237 : memref<1x50x128xf32, #tpu.memory_space<vmem>> -> memref<50x128xf32, #tpu.memory_space<vmem>>
        %dma_wait3A_239 = arith.constant 0 : i32
        %dma_wait3A_240 = tpu.memref_slice %arg6[%add3A_120, %dma_wait3A_239] : memref<40x50xi32, #tpu.memory_space<vmem>> -> memref<1x50xi32, #tpu.memory_space<vmem>>
        %dma_wait3A_241 = tpu.memref_squeeze %dma_wait3A_240 : memref<1x50xi32, #tpu.memory_space<vmem>> -> memref<50xi32, #tpu.memory_space<vmem>>
        %dma_wait3A_242 = arith.constant 0 : i32
        %dma_wait3A_243 = arith.constant 0 : i32
        %dma_wait3A_244 = tpu.memref_slice %arg9[%dma_wait3A_242, %dma_wait3A_243] : memref<10000x128xf32, #tpu.memory_space<vmem_shared>> -> memref<10000x128xf32, #tpu.memory_space<vmem_shared>>
        tpu.wait_indirect_dma semaphore(%arg16 : memref<!tpu.dma_semaphore, #tpu.memory_space<semaphore_mem>>) src(%dma_wait3A_238 : memref<50x128xf32, #tpu.memory_space<vmem>>) dst(%dma_wait3A_244 : memref<10000x128xf32, #tpu.memory_space<vmem_shared>>)
        %add3A_245 = arith.constant 5 : i32
        %add3A_246 = arith.addi %add3A_233, %add3A_245 : i32
        %lt3A_247 = arith.constant 40 : i32
        %lt3A_248 = arith.cmpi slt, %add3A_246, %lt3A_247 : i32
        %convert_element_type3A_249 = arith.extui %lt3A_248 : i1 to i32
        %cond3A_250 = arith.constant 0 : i32
        %cond3A_251 = arith.cmpi ne, %convert_element_type3A_249, %cond3A_250 : i32
        scf.if %cond3A_251 {
          %add3A_312 = arith.constant 5 : i32
          %add3A_313 = arith.addi %add3A_233, %add3A_312 : i32
          %dma_start3A_314 = arith.constant 1 : i32
          %dma_start3A_315 = arith.constant 0 : i32
          %dma_start3A_316 = arith.constant 0 : i32
          %dma_start3A_317 = tpu.memref_slice %arg7[%dma_start3A_314, %dma_start3A_315, %dma_start3A_316] : memref<5x50x128xf32, #tpu.memory_space<vmem>> -> memref<1x50x128xf32, #tpu.memory_space<vmem>>
          %dma_start3A_318 = tpu.memref_squeeze %dma_start3A_317 : memref<1x50x128xf32, #tpu.memory_space<vmem>> -> memref<50x128xf32, #tpu.memory_space<vmem>>
          %dma_start3A_319 = arith.constant 0 : i32
          %dma_start3A_320 = tpu.memref_slice %arg5[%add3A_313, %dma_start3A_319] : memref<40x50xi32, #tpu.memory_space<vmem>> -> memref<1x50xi32, #tpu.memory_space<vmem>>
          %dma_start3A_321 = tpu.memref_squeeze %dma_start3A_320 : memref<1x50xi32, #tpu.memory_space<vmem>> -> memref<50xi32, #tpu.memory_space<vmem>>
          %dma_start3A_322 = arith.constant 0 : i32
          %dma_start3A_323 = arith.constant 0 : i32
          %dma_start3A_324 = tpu.memref_slice %arg2[%dma_start3A_322, %dma_start3A_323] : memref<10000x128xf32, #tpu.memory_space<hbm>> -> memref<10000x128xf32, #tpu.memory_space<hbm>>
          tpu.enqueue_indirect_dma source(%dma_start3A_324 : memref<10000x128xf32, #tpu.memory_space<hbm>>) target(%dma_start3A_318 : memref<50x128xf32, #tpu.memory_space<vmem>>) offsets(%dma_start3A_321 : memref<50xi32, #tpu.memory_space<vmem>>) semaphore(%arg11 : memref<!tpu.dma_semaphore, #tpu.memory_space<semaphore_mem>>)
        } else {
        }
        %add3A_252 = arith.constant 2 : i32
        %add3A_253 = arith.addi %mul3A_95, %add3A_252 : i32
        %dma_wait3A_254 = arith.constant 2 : i32
        %dma_wait3A_255 = arith.constant 0 : i32
        %dma_wait3A_256 = arith.constant 0 : i32
        %dma_wait3A_257 = tpu.memref_slice %arg7[%dma_wait3A_254, %dma_wait3A_255, %dma_wait3A_256] : memref<5x50x128xf32, #tpu.memory_space<vmem>> -> memref<1x50x128xf32, #tpu.memory_space<vmem>>
        %dma_wait3A_258 = tpu.memref_squeeze %dma_wait3A_257 : memref<1x50x128xf32, #tpu.memory_space<vmem>> -> memref<50x128xf32, #tpu.memory_space<vmem>>
        %dma_wait3A_259 = arith.constant 0 : i32
        %dma_wait3A_260 = tpu.memref_slice %arg6[%add3A_144, %dma_wait3A_259] : memref<40x50xi32, #tpu.memory_space<vmem>> -> memref<1x50xi32, #tpu.memory_space<vmem>>
        %dma_wait3A_261 = tpu.memref_squeeze %dma_wait3A_260 : memref<1x50xi32, #tpu.memory_space<vmem>> -> memref<50xi32, #tpu.memory_space<vmem>>
        %dma_wait3A_262 = arith.constant 0 : i32
        %dma_wait3A_263 = arith.constant 0 : i32
        %dma_wait3A_264 = tpu.memref_slice %arg9[%dma_wait3A_262, %dma_wait3A_263] : memref<10000x128xf32, #tpu.memory_space<vmem_shared>> -> memref<10000x128xf32, #tpu.memory_space<vmem_shared>>
        tpu.wait_indirect_dma semaphore(%arg17 : memref<!tpu.dma_semaphore, #tpu.memory_space<semaphore_mem>>) src(%dma_wait3A_258 : memref<50x128xf32, #tpu.memory_space<vmem>>) dst(%dma_wait3A_264 : memref<10000x128xf32, #tpu.memory_space<vmem_shared>>)
        %add3A_265 = arith.constant 5 : i32
        %add3A_266 = arith.addi %add3A_253, %add3A_265 : i32
        %lt3A_267 = arith.constant 40 : i32
        %lt3A_268 = arith.cmpi slt, %add3A_266, %lt3A_267 : i32
        %convert_element_type3A_269 = arith.extui %lt3A_268 : i1 to i32
        %cond3A_270 = arith.constant 0 : i32
        %cond3A_271 = arith.cmpi ne, %convert_element_type3A_269, %cond3A_270 : i32
        scf.if %cond3A_271 {
          %add3A_312 = arith.constant 5 : i32
          %add3A_313 = arith.addi %add3A_253, %add3A_312 : i32
          %dma_start3A_314 = arith.constant 2 : i32
          %dma_start3A_315 = arith.constant 0 : i32
          %dma_start3A_316 = arith.constant 0 : i32
          %dma_start3A_317 = tpu.memref_slice %arg7[%dma_start3A_314, %dma_start3A_315, %dma_start3A_316] : memref<5x50x128xf32, #tpu.memory_space<vmem>> -> memref<1x50x128xf32, #tpu.memory_space<vmem>>
          %dma_start3A_318 = tpu.memref_squeeze %dma_start3A_317 : memref<1x50x128xf32, #tpu.memory_space<vmem>> -> memref<50x128xf32, #tpu.memory_space<vmem>>
          %dma_start3A_319 = arith.constant 0 : i32
          %dma_start3A_320 = tpu.memref_slice %arg5[%add3A_313, %dma_start3A_319] : memref<40x50xi32, #tpu.memory_space<vmem>> -> memref<1x50xi32, #tpu.memory_space<vmem>>
          %dma_start3A_321 = tpu.memref_squeeze %dma_start3A_320 : memref<1x50xi32, #tpu.memory_space<vmem>> -> memref<50xi32, #tpu.memory_space<vmem>>
          %dma_start3A_322 = arith.constant 0 : i32
          %dma_start3A_323 = arith.constant 0 : i32
          %dma_start3A_324 = tpu.memref_slice %arg2[%dma_start3A_322, %dma_start3A_323] : memref<10000x128xf32, #tpu.memory_space<hbm>> -> memref<10000x128xf32, #tpu.memory_space<hbm>>
          tpu.enqueue_indirect_dma source(%dma_start3A_324 : memref<10000x128xf32, #tpu.memory_space<hbm>>) target(%dma_start3A_318 : memref<50x128xf32, #tpu.memory_space<vmem>>) offsets(%dma_start3A_321 : memref<50xi32, #tpu.memory_space<vmem>>) semaphore(%arg12 : memref<!tpu.dma_semaphore, #tpu.memory_space<semaphore_mem>>)
        } else {
        }
        %add3A_272 = arith.constant 3 : i32
        %add3A_273 = arith.addi %mul3A_95, %add3A_272 : i32
        %dma_wait3A_274 = arith.constant 3 : i32
        %dma_wait3A_275 = arith.constant 0 : i32
        %dma_wait3A_276 = arith.constant 0 : i32
        %dma_wait3A_277 = tpu.memref_slice %arg7[%dma_wait3A_274, %dma_wait3A_275, %dma_wait3A_276] : memref<5x50x128xf32, #tpu.memory_space<vmem>> -> memref<1x50x128xf32, #tpu.memory_space<vmem>>
        %dma_wait3A_278 = tpu.memref_squeeze %dma_wait3A_277 : memref<1x50x128xf32, #tpu.memory_space<vmem>> -> memref<50x128xf32, #tpu.memory_space<vmem>>
        %dma_wait3A_279 = arith.constant 0 : i32
        %dma_wait3A_280 = tpu.memref_slice %arg6[%add3A_168, %dma_wait3A_279] : memref<40x50xi32, #tpu.memory_space<vmem>> -> memref<1x50xi32, #tpu.memory_space<vmem>>
        %dma_wait3A_281 = tpu.memref_squeeze %dma_wait3A_280 : memref<1x50xi32, #tpu.memory_space<vmem>> -> memref<50xi32, #tpu.memory_space<vmem>>
        %dma_wait3A_282 = arith.constant 0 : i32
        %dma_wait3A_283 = arith.constant 0 : i32
        %dma_wait3A_284 = tpu.memref_slice %arg9[%dma_wait3A_282, %dma_wait3A_283] : memref<10000x128xf32, #tpu.memory_space<vmem_shared>> -> memref<10000x128xf32, #tpu.memory_space<vmem_shared>>
        tpu.wait_indirect_dma semaphore(%arg18 : memref<!tpu.dma_semaphore, #tpu.memory_space<semaphore_mem>>) src(%dma_wait3A_278 : memref<50x128xf32, #tpu.memory_space<vmem>>) dst(%dma_wait3A_284 : memref<10000x128xf32, #tpu.memory_space<vmem_shared>>)
        %add3A_285 = arith.constant 5 : i32
        %add3A_286 = arith.addi %add3A_273, %add3A_285 : i32
        %lt3A_287 = arith.constant 40 : i32
        %lt3A_288 = arith.cmpi slt, %add3A_286, %lt3A_287 : i32
        %convert_element_type3A_289 = arith.extui %lt3A_288 : i1 to i32
        %cond3A_290 = arith.constant 0 : i32
        %cond3A_291 = arith.cmpi ne, %convert_element_type3A_289, %cond3A_290 : i32
        scf.if %cond3A_291 {
          %add3A_312 = arith.constant 5 : i32
          %add3A_313 = arith.addi %add3A_273, %add3A_312 : i32
          %dma_start3A_314 = arith.constant 3 : i32
          %dma_start3A_315 = arith.constant 0 : i32
          %dma_start3A_316 = arith.constant 0 : i32
          %dma_start3A_317 = tpu.memref_slice %arg7[%dma_start3A_314, %dma_start3A_315, %dma_start3A_316] : memref<5x50x128xf32, #tpu.memory_space<vmem>> -> memref<1x50x128xf32, #tpu.memory_space<vmem>>
          %dma_start3A_318 = tpu.memref_squeeze %dma_start3A_317 : memref<1x50x128xf32, #tpu.memory_space<vmem>> -> memref<50x128xf32, #tpu.memory_space<vmem>>
          %dma_start3A_319 = arith.constant 0 : i32
          %dma_start3A_320 = tpu.memref_slice %arg5[%add3A_313, %dma_start3A_319] : memref<40x50xi32, #tpu.memory_space<vmem>> -> memref<1x50xi32, #tpu.memory_space<vmem>>
          %dma_start3A_321 = tpu.memref_squeeze %dma_start3A_320 : memref<1x50xi32, #tpu.memory_space<vmem>> -> memref<50xi32, #tpu.memory_space<vmem>>
          %dma_start3A_322 = arith.constant 0 : i32
          %dma_start3A_323 = arith.constant 0 : i32
          %dma_start3A_324 = tpu.memref_slice %arg2[%dma_start3A_322, %dma_start3A_323] : memref<10000x128xf32, #tpu.memory_space<hbm>> -> memref<10000x128xf32, #tpu.memory_space<hbm>>
          tpu.enqueue_indirect_dma source(%dma_start3A_324 : memref<10000x128xf32, #tpu.memory_space<hbm>>) target(%dma_start3A_318 : memref<50x128xf32, #tpu.memory_space<vmem>>) offsets(%dma_start3A_321 : memref<50xi32, #tpu.memory_space<vmem>>) semaphore(%arg13 : memref<!tpu.dma_semaphore, #tpu.memory_space<semaphore_mem>>)
        } else {
        }
        %add3A_292 = arith.constant 4 : i32
        %add3A_293 = arith.addi %mul3A_95, %add3A_292 : i32
        %dma_wait3A_294 = arith.constant 4 : i32
        %dma_wait3A_295 = arith.constant 0 : i32
        %dma_wait3A_296 = arith.constant 0 : i32
        %dma_wait3A_297 = tpu.memref_slice %arg7[%dma_wait3A_294, %dma_wait3A_295, %dma_wait3A_296] : memref<5x50x128xf32, #tpu.memory_space<vmem>> -> memref<1x50x128xf32, #tpu.memory_space<vmem>>
        %dma_wait3A_298 = tpu.memref_squeeze %dma_wait3A_297 : memref<1x50x128xf32, #tpu.memory_space<vmem>> -> memref<50x128xf32, #tpu.memory_space<vmem>>
        %dma_wait3A_299 = arith.constant 0 : i32
        %dma_wait3A_300 = tpu.memref_slice %arg6[%add3A_192, %dma_wait3A_299] : memref<40x50xi32, #tpu.memory_space<vmem>> -> memref<1x50xi32, #tpu.memory_space<vmem>>
        %dma_wait3A_301 = tpu.memref_squeeze %dma_wait3A_300 : memref<1x50xi32, #tpu.memory_space<vmem>> -> memref<50xi32, #tpu.memory_space<vmem>>
        %dma_wait3A_302 = arith.constant 0 : i32
        %dma_wait3A_303 = arith.constant 0 : i32
        %dma_wait3A_304 = tpu.memref_slice %arg9[%dma_wait3A_302, %dma_wait3A_303] : memref<10000x128xf32, #tpu.memory_space<vmem_shared>> -> memref<10000x128xf32, #tpu.memory_space<vmem_shared>>
        tpu.wait_indirect_dma semaphore(%arg19 : memref<!tpu.dma_semaphore, #tpu.memory_space<semaphore_mem>>) src(%dma_wait3A_298 : memref<50x128xf32, #tpu.memory_space<vmem>>) dst(%dma_wait3A_304 : memref<10000x128xf32, #tpu.memory_space<vmem_shared>>)
        %add3A_305 = arith.constant 5 : i32
        %add3A_306 = arith.addi %add3A_293, %add3A_305 : i32
        %lt3A_307 = arith.constant 40 : i32
        %lt3A_308 = arith.cmpi slt, %add3A_306, %lt3A_307 : i32
        %convert_element_type3A_309 = arith.extui %lt3A_308 : i1 to i32
        %cond3A_310 = arith.constant 0 : i32
        %cond3A_311 = arith.cmpi ne, %convert_element_type3A_309, %cond3A_310 : i32
        scf.if %cond3A_311 {
          %add3A_312 = arith.constant 5 : i32
          %add3A_313 = arith.addi %add3A_293, %add3A_312 : i32
          %dma_start3A_314 = arith.constant 4 : i32
          %dma_start3A_315 = arith.constant 0 : i32
          %dma_start3A_316 = arith.constant 0 : i32
          %dma_start3A_317 = tpu.memref_slice %arg7[%dma_start3A_314, %dma_start3A_315, %dma_start3A_316] : memref<5x50x128xf32, #tpu.memory_space<vmem>> -> memref<1x50x128xf32, #tpu.memory_space<vmem>>
          %dma_start3A_318 = tpu.memref_squeeze %dma_start3A_317 : memref<1x50x128xf32, #tpu.memory_space<vmem>> -> memref<50x128xf32, #tpu.memory_space<vmem>>
          %dma_start3A_319 = arith.constant 0 : i32
          %dma_start3A_320 = tpu.memref_slice %arg5[%add3A_313, %dma_start3A_319] : memref<40x50xi32, #tpu.memory_space<vmem>> -> memref<1x50xi32, #tpu.memory_space<vmem>>
          %dma_start3A_321 = tpu.memref_squeeze %dma_start3A_320 : memref<1x50xi32, #tpu.memory_space<vmem>> -> memref<50xi32, #tpu.memory_space<vmem>>
          %dma_start3A_322 = arith.constant 0 : i32
          %dma_start3A_323 = arith.constant 0 : i32
          %dma_start3A_324 = tpu.memref_slice %arg2[%dma_start3A_322, %dma_start3A_323] : memref<10000x128xf32, #tpu.memory_space<hbm>> -> memref<10000x128xf32, #tpu.memory_space<hbm>>
          tpu.enqueue_indirect_dma source(%dma_start3A_324 : memref<10000x128xf32, #tpu.memory_space<hbm>>) target(%dma_start3A_318 : memref<50x128xf32, #tpu.memory_space<vmem>>) offsets(%dma_start3A_321 : memref<50xi32, #tpu.memory_space<vmem>>) semaphore(%arg14 : memref<!tpu.dma_semaphore, #tpu.memory_space<semaphore_mem>>)
        } else {
        }
      }
      %scan3A_92 = arith.constant 8 : i32
    }
    %scan3A_18 = arith.constant 5 : i32
    %barrier3A_19 = arith.constant 0 : index
    tpu.barrier barrier_id(%barrier3A_19)
    %scan3A_20 = arith.constant 0 : i32
    %scan3A_21 = arith.constant 0 : i32
    %scan3A_22 = arith.constant 8 : i32
    %scan3A_23 = arith.addi %scan3A_21, %scan3A_22 : i32
    %scan3A_24 = arith.constant 1 : i32
    scf.for %scan3A_26 = %scan3A_21 to %scan3A_23 step %scan3A_24  : i32 {
      %mul3A_27 = arith.constant 16 : i32
      %mul3A_28 = arith.muli %mul3A_27, %scan3A_26 : i32
      %add3A_29 = arith.addi %arg1, %mul3A_28 : i32
      %lt3A = arith.constant 125 : i32
      %lt3A_30 = arith.cmpi slt, %add3A_29, %lt3A : i32
      %convert_element_type3A = arith.extui %lt3A_30 : i1 to i32
      %cond3A = arith.constant 0 : i32
      %cond3A_31 = arith.cmpi ne, %convert_element_type3A, %cond3A : i32
      scf.if %cond3A_31 {
        %mul3A_32 = arith.constant 80 : i32
        %mul3A_33 = arith.muli %add3A_29, %mul3A_32 : i32
        %multiple_of3A = tpu.assume_multiple %mul3A_33, 8 : i32
        "tpu.region"() ({
          %run_scoped3A = tpu.sem_alloc : memref<!tpu.dma_semaphore, #tpu.memory_space<semaphore_mem>>
          %dma_start3A = arith.constant 0 : i32
          %dma_start3A_34 = arith.constant 0 : i32
          %dma_start3A_35 = tpu.memref_slice %arg4[%arg0, %dma_start3A, %dma_start3A_34] : memref<2x10000x128xf32, #tpu.memory_space<hbm>> -> memref<1x10000x128xf32, #tpu.memory_space<hbm>>
          %dma_start3A_36 = tpu.memref_squeeze %dma_start3A_35 : memref<1x10000x128xf32, #tpu.memory_space<hbm>> -> memref<10000x128xf32, #tpu.memory_space<hbm>>
          %dma_start3A_37 = arith.constant 0 : i32
          %dma_start3A_38 = tpu.memref_slice %dma_start3A_36[%multiple_of3A, %dma_start3A_37] : memref<10000x128xf32, #tpu.memory_space<hbm>> -> memref<80x128xf32, #tpu.memory_space<hbm>>
          %dma_start3A_39 = arith.constant 0 : i32
          %dma_start3A_40 = tpu.memref_slice %arg9[%multiple_of3A, %dma_start3A_39] : memref<10000x128xf32, #tpu.memory_space<vmem_shared>> -> memref<80x128xf32, #tpu.memory_space<vmem_shared>>
          tpu.enqueue_dma source(%dma_start3A_40 : memref<80x128xf32, #tpu.memory_space<vmem_shared>>) target(%dma_start3A_38 : memref<80x128xf32, #tpu.memory_space<hbm>>) target_semaphore(%run_scoped3A : memref<!tpu.dma_semaphore, #tpu.memory_space<semaphore_mem>>)
          %dma_wait3A = arith.constant 0 : i32
          %dma_wait3A_41 = arith.constant 0 : i32
          %dma_wait3A_42 = tpu.memref_slice %arg4[%arg0, %dma_wait3A, %dma_wait3A_41] : memref<2x10000x128xf32, #tpu.memory_space<hbm>> -> memref<1x10000x128xf32, #tpu.memory_space<hbm>>
          %dma_wait3A_43 = tpu.memref_squeeze %dma_wait3A_42 : memref<1x10000x128xf32, #tpu.memory_space<hbm>> -> memref<10000x128xf32, #tpu.memory_space<hbm>>
          %dma_wait3A_44 = arith.constant 0 : i32
          %dma_wait3A_45 = tpu.memref_slice %dma_wait3A_43[%multiple_of3A, %dma_wait3A_44] : memref<10000x128xf32, #tpu.memory_space<hbm>> -> memref<80x128xf32, #tpu.memory_space<hbm>>
          %dma_wait3A_46 = arith.constant 0 : i32
          %dma_wait3A_47 = tpu.memref_slice %arg9[%multiple_of3A, %dma_wait3A_46] : memref<10000x128xf32, #tpu.memory_space<vmem_shared>> -> memref<80x128xf32, #tpu.memory_space<vmem_shared>>
          tpu.wait_dma2 semaphore(%run_scoped3A : memref<!tpu.dma_semaphore, #tpu.memory_space<semaphore_mem>>) src(%dma_wait3A_47 : memref<80x128xf32, #tpu.memory_space<vmem_shared>>) dst(%dma_wait3A_45 : memref<80x128xf32, #tpu.memory_space<hbm>>)
          tpu.yield
        }) : () -> ()
      } else {
      }
    }
    %scan3A_25 = arith.constant 8 : i32
    return
  }
}

module attributes {stable_mosaic.version = 14 : i64} {
  func.func @_final_body(%arg0: i32, %arg1: memref<2000x128xf32, #tpu.memory_space<vmem>>, %arg2: memref<2x2000x128xf32, #tpu.memory_space<vmem>>, %arg3: memref<2000x1xf32, #tpu.memory_space<vmem>>, %arg4: memref<128x128xf32, #tpu.memory_space<vmem>>, %arg5: memref<128x128xf32, #tpu.memory_space<vmem>>, %arg6: memref<1x128xf32, #tpu.memory_space<vmem>>, %arg7: memref<2000x128xf32, #tpu.memory_space<vmem>>) attributes {dimension_semantics = [#tpu.dimension_semantics<arbitrary>], iteration_bounds = array<i64: 5>, scalar_prefetch = 0 : i64, scratch_operands = 0 : i64, tpu.core_type = #tpu.core_type<tc>, window_params = [{transform_indices = @transform_0, window_bounds = array<i64: 2000, 128>}, {transform_indices = @transform_1, window_bounds = array<i64: 2, 2000, 128>}, {transform_indices = @transform_2, window_bounds = array<i64: 2000, 1>}, {pipeline_mode = #tpu.pipeline_mode<synchronous>, transform_indices = @transform_3, window_bounds = array<i64: 128, 128>}, {pipeline_mode = #tpu.pipeline_mode<synchronous>, transform_indices = @transform_4, window_bounds = array<i64: 128, 128>}, {pipeline_mode = #tpu.pipeline_mode<synchronous>, transform_indices = @transform_5, window_bounds = array<i64: 1, 128>}, {transform_indices = @transform_6, window_bounds = array<i64: 2000, 128>}]} {
    %get3A = arith.constant 0 : index
    %get3A_0 = arith.constant 0 : index
    %get3A_1 = arith.constant 0 : index
    %get3A_2 = vector.load %arg2[%get3A, %get3A_0, %get3A_1] : memref<2x2000x128xf32, #tpu.memory_space<vmem>>, vector<1x2000x128xf32>
    %get3A_3 = vector.shape_cast %get3A_2 : vector<1x2000x128xf32> to vector<2000x128xf32>
    %get3A_4 = arith.constant 1 : index
    %get3A_5 = arith.constant 0 : index
    %get3A_6 = arith.constant 0 : index
    %get3A_7 = vector.load %arg2[%get3A_4, %get3A_5, %get3A_6] : memref<2x2000x128xf32, #tpu.memory_space<vmem>>, vector<1x2000x128xf32>
    %get3A_8 = vector.shape_cast %get3A_7 : vector<1x2000x128xf32> to vector<2000x128xf32>
    %add3A = arith.addf %get3A_3, %get3A_8 : vector<2000x128xf32>
    %get3A_9 = arith.constant 0 : index
    %get3A_10 = arith.constant 0 : index
    %get3A_11 = vector.load %arg3[%get3A_9, %get3A_10] : memref<2000x1xf32, #tpu.memory_space<vmem>>, vector<2000x1xf32>
    %mul3A = vector.broadcast %get3A_11 : vector<2000x1xf32> to vector<2000x128xf32>
    %mul3A_12 = arith.mulf %add3A, %mul3A : vector<2000x128xf32>
    %get3A_13 = arith.constant 0 : index
    %get3A_14 = arith.constant 0 : index
    %get3A_15 = vector.load %arg1[%get3A_13, %get3A_14] : memref<2000x128xf32, #tpu.memory_space<vmem>>, vector<2000x128xf32>
    %get3A_16 = arith.constant 0 : index
    %get3A_17 = arith.constant 0 : index
    %get3A_18 = vector.load %arg4[%get3A_16, %get3A_17] : memref<128x128xf32, #tpu.memory_space<vmem>>, vector<128x128xf32>
    %dot_general3A = arith.constant dense<0.000000e+00> : vector<2000x128xf32>
    %dot_general3A_19 = tpu.matmul %get3A_15, %get3A_18, %dot_general3A {dimension_numbers = #tpu.dot_dimension_numbers<[1], [0], [0], [1], [0, 0, 1, 1], [], []>, transpose_lhs_hint = false} : vector<2000x128xf32>, vector<128x128xf32>, vector<2000x128xf32> -> vector<2000x128xf32>
    %get3A_20 = arith.constant 0 : index
    %get3A_21 = arith.constant 0 : index
    %get3A_22 = vector.load %arg6[%get3A_20, %get3A_21] : memref<1x128xf32, #tpu.memory_space<vmem>>, vector<1x128xf32>
    %add3A_23 = vector.broadcast %get3A_22 : vector<1x128xf32> to vector<2000x128xf32>
    %add3A_24 = arith.addf %dot_general3A_19, %add3A_23 : vector<2000x128xf32>
    %get3A_25 = arith.constant 0 : index
    %get3A_26 = arith.constant 0 : index
    %get3A_27 = vector.load %arg5[%get3A_25, %get3A_26] : memref<128x128xf32, #tpu.memory_space<vmem>>, vector<128x128xf32>
    %dot_general3A_28 = arith.constant dense<0.000000e+00> : vector<2000x128xf32>
    %dot_general3A_29 = tpu.matmul %mul3A_12, %get3A_27, %dot_general3A_28 {dimension_numbers = #tpu.dot_dimension_numbers<[1], [0], [0], [1], [0, 0, 1, 1], [], []>, transpose_lhs_hint = false} : vector<2000x128xf32>, vector<128x128xf32>, vector<2000x128xf32> -> vector<2000x128xf32>
    %sub3A = arith.subf %add3A_24, %dot_general3A_29 : vector<2000x128xf32>
    %swap3A = arith.constant 0 : index
    %swap3A_30 = arith.constant 0 : index
    %swap3A_31 = vector.load %arg7[%swap3A, %swap3A_30] : memref<2000x128xf32, #tpu.memory_space<vmem>>, vector<2000x128xf32>
    tpu.vector_store %arg7[%swap3A, %swap3A_30], %sub3A {strides = array<i32>} : memref<2000x128xf32, #tpu.memory_space<vmem>>, vector<2000x128xf32>,
    return
  }
  func.func @transform_0(%arg0: i32) -> (i32, i32) {
    %c0_i32 = arith.constant 0 : i32
    %c0_i32_0 = arith.constant 0 : i32
    return %arg0, %c0_i32 : i32, i32
  }
  func.func @transform_1(%arg0: i32) -> (i32, i32, i32) {
    %c0_i32 = arith.constant 0 : i32
    %c0_i32_0 = arith.constant 0 : i32
    %c0_i32_1 = arith.constant 0 : i32
    return %c0_i32, %arg0, %c0_i32_0 : i32, i32, i32
  }
  func.func @transform_2(%arg0: i32) -> (i32, i32) {
    %c0_i32 = arith.constant 0 : i32
    %c0_i32_0 = arith.constant 0 : i32
    return %arg0, %c0_i32 : i32, i32
  }
  func.func @transform_3(%arg0: i32) -> (i32, i32) {
    %c0_i32 = arith.constant 0 : i32
    %c0_i32_0 = arith.constant 0 : i32
    %c0_i32_1 = arith.constant 0 : i32
    return %c0_i32, %c0_i32_0 : i32, i32
  }
  func.func @transform_4(%arg0: i32) -> (i32, i32) {
    %c0_i32 = arith.constant 0 : i32
    %c0_i32_0 = arith.constant 0 : i32
    %c0_i32_1 = arith.constant 0 : i32
    return %c0_i32, %c0_i32_0 : i32, i32
  }
  func.func @transform_5(%arg0: i32) -> (i32, i32) {
    %c0_i32 = arith.constant 0 : i32
    %c0_i32_0 = arith.constant 0 : i32
    %c0_i32_1 = arith.constant 0 : i32
    return %c0_i32, %c0_i32_0 : i32, i32
  }
  func.func @transform_6(%arg0: i32) -> (i32, i32) {
    %c0_i32 = arith.constant 0 : i32
    %c0_i32_0 = arith.constant 0 : i32
    return %arg0, %c0_i32 : i32, i32
  }
}

module attributes {stable_mosaic.version = 14 : i64} {
  func.func @_prep_body(%arg0: i32, %arg1: memref<2000x128xf32, #tpu.memory_space<vmem>>, %arg2: memref<2000x32xf32, #tpu.memory_space<vmem>>, %arg3: memref<2000x128xf32, #tpu.memory_space<vmem>>, %arg4: memref<2000x1xf32, #tpu.memory_space<vmem>>) attributes {dimension_semantics = [#tpu.dimension_semantics<arbitrary>], iteration_bounds = array<i64: 5>, scalar_prefetch = 0 : i64, scratch_operands = 0 : i64, tpu.core_type = #tpu.core_type<tc>, window_params = [{transform_indices = @transform_0, window_bounds = array<i64: 2000, 128>}, {transform_indices = @transform_1, window_bounds = array<i64: 2000, 32>}, {transform_indices = @transform_2, window_bounds = array<i64: 2000, 128>}, {transform_indices = @transform_3, window_bounds = array<i64: 2000, 1>}]} {
    %get3A = arith.constant 0 : index
    %get3A_0 = arith.constant 0 : index
    %get3A_1 = vector.load %arg2[%get3A, %get3A_0] : memref<2000x32xf32, #tpu.memory_space<vmem>>, vector<2000x32xf32>
    %reduce_sum3A = arith.constant dense<0.000000e+00> : vector<2000xf32>
    %reduce_sum3A_2 = vector.multi_reduction <add>, %get3A_1, %reduce_sum3A [1] : vector<2000x32xf32> to vector<2000xf32>
    %broadcast_in_dim3A = vector.shape_cast %reduce_sum3A_2 : vector<2000xf32> to vector<2000x1xf32>
    %max3A = arith.constant 1.000000e+00 : f32
    %max3A_3 = vector.broadcast %max3A : f32 to vector<2000x1xf32>
    %max3A_4 = arith.maximumf %broadcast_in_dim3A, %max3A_3 : vector<2000x1xf32>
    %rsqrt3A = math.rsqrt %max3A_4 : vector<2000x1xf32>
    %get3A_5 = arith.constant 0 : index
    %get3A_6 = arith.constant 0 : index
    %get3A_7 = vector.load %arg1[%get3A_5, %get3A_6] : memref<2000x128xf32, #tpu.memory_space<vmem>>, vector<2000x128xf32>
    %mul3A = vector.broadcast %rsqrt3A : vector<2000x1xf32> to vector<2000x128xf32>
    %mul3A_8 = arith.mulf %get3A_7, %mul3A : vector<2000x128xf32>
    %swap3A = arith.constant 0 : index
    %swap3A_9 = arith.constant 0 : index
    %swap3A_10 = vector.load %arg3[%swap3A, %swap3A_9] : memref<2000x128xf32, #tpu.memory_space<vmem>>, vector<2000x128xf32>
    tpu.vector_store %arg3[%swap3A, %swap3A_9], %mul3A_8 {strides = array<i32>} : memref<2000x128xf32, #tpu.memory_space<vmem>>, vector<2000x128xf32>,
    %swap3A_11 = arith.constant 0 : index
    %swap3A_12 = arith.constant 0 : index
    %swap3A_13 = vector.load %arg4[%swap3A_11, %swap3A_12] : memref<2000x1xf32, #tpu.memory_space<vmem>>, vector<2000x1xf32>
    tpu.vector_store %arg4[%swap3A_11, %swap3A_12], %rsqrt3A {strides = array<i32>} : memref<2000x1xf32, #tpu.memory_space<vmem>>, vector<2000x1xf32>,
    return
  }
  func.func @transform_0(%arg0: i32) -> (i32, i32) {
    %c0_i32 = arith.constant 0 : i32
    %c0_i32_0 = arith.constant 0 : i32
    return %arg0, %c0_i32 : i32, i32
  }
  func.func @transform_1(%arg0: i32) -> (i32, i32) {
    %c0_i32 = arith.constant 0 : i32
    %c0_i32_0 = arith.constant 0 : i32
    return %arg0, %c0_i32 : i32, i32
  }
  func.func @transform_2(%arg0: i32) -> (i32, i32) {
    %c0_i32 = arith.constant 0 : i32
    %c0_i32_0 = arith.constant 0 : i32
    return %arg0, %c0_i32 : i32, i32
  }
  func.func @transform_3(%arg0: i32) -> (i32, i32) {
    %c0_i32 = arith.constant 0 : i32
    %c0_i32_0 = arith.constant 0 : i32
    return %arg0, %c0_i32 : i32, i32
  }
}

</mosaic_0001>

<sc_bundles>
// kernel: kernel.6.cloned.1.call-start
scs
__scs_entry_jumppad:
0x0: {  	(pc) =	sbr.rel $0x88, $3  }
0x1: {  	(tag) =	ssettag $0x0;
	lr =	simm.s32 $0x1  }
0x2: {  	[smem:$0x3F9D] =	sst lr;
	_ =	strace $0xD0000000  }
0x3: {  	_ = 	snop  }
0x4: {  	_ = 	snop  }
0x5: {  	_ = 	snop  }
0x6: {  	_ = 	snop  }
0x7: {  	_ = 	snop  }
__scs_overlays_trampoline_lowered:
0x8: {  	[smem:$0x3FAC] =	sst s0  }
0x9: {  	[smem:$0x3FAD] =	sst s1  }
0xa: {  	[smem:$0x3FAE] =	sst s2  }
0xb: {  	[smem:$0x3FAF] =	sst s3  }
0xc: {  	[smem:$0x3FB0] =	sst s4  }
0xd: {  	[smem:$0x3FB1] =	sst s5  }
0xe: {  	[smem:$0x3FB2] =	sst s6  }
0xf: {  	[smem:$0x3FB3] =	sst s7  }
0x10: {  	[smem:$0x3FB4] =	sst s8  }
0x11: {  	[smem:$0x3FB5] =	sst s9;
	s0 =	simm.s32 @!p0 $0x0  }
0x12: {  	s1 =	sld [smem:$0x3F9B];
	s0 =	simm.s32 @p0 $0x1  }
0x13: {  	[smem:$0x3FB6] =	sst s0;
	s0 =	simm.s32 @!p1 $0x0  }
0x14: {  	s2 =	sld [smem:$0x3F9A];
	s0 =	simm.s32 @p1 $0x1  }
0x15: {  	[smem:$0x3FB7] =	sst s0;
	s0 =	simm.s32 @!p2 $0x0  }
0x16: {  	s3 =	sld [smem:$0x3FDB];
	s0 =	simm.s32 @p2 $0x1  }
0x17: {  	s4 =	simm.s32 $0x1BF5;
	[smem:$0x3FB9] =	sst s0  }
0x18: {  	s0 =	sld [smem:$0x3F9C];
	_ =	swait.ge [sflag:s4], $0x0  }
0x19: {  	s7 =	sld [smem:$0x3F9D]  }
0x1a: {  	s8 =	sadd.s32 $0xFFFFE003, lr  }
0x1b: {  	s9 =	sadd.s32 $0xFFFFFEF7, lr;
	s5 =	simm.s32 $0xFFFFFFFF;
	p2 =	slt.u32 s8, $0xFFFFF086  }
0x1c: {  	p1 =	slt.u32 s9, $0xF7A;
	s5 =	simm.s32 @!p2 $0x0  }
0x1d: {  	s5 =	simm.s32 @p1 $0x1;
	p0 =	seq.s32 s7, s2  }
0x1e: {  	s7 =	smul.u32 @!p0 $0xF7A, s2;
	p2 =	seq.s32 @!p0 s5, $0x0  }
0x1f: {  	s9 =	smul.u32 $0xF7A, s1;
	s8 =	simm.s32 @!p0 $0x1BF5;
	p2 =	por !p2, p0  }
0x20: {  	[sflag:s8] =	ssyncset.s32 @!p0 $0xFFFFF086;
	s6 =	sadd.s32 @!p0 s3, s7;
	s7 =	simm.s32 @!p0 $0x108  }
0x21: {  	s3 =	sadd.s32 s3, s9;
	s6 =	sadd.s32 @!p0 $0x88, s6;
	s7 =	simm.s32 @p2 $0x1082  }
0x22: {  	[simem:s7], [sflag:s8] =	dma.local @!p0 [hbm:s6], $0xF7A  }
0x23: {  	s9 =	sor.u32 $0xD0000000, s2;
	s6 =	simm.s32 $0x108;
	_ =	swait.ge @!p0 [sflag:s8], $0x0  }
0x24: {  	s3 =	sadd.s32 $0x88, s3;
	s6 =	simm.s32 @!p1 $0x1082;
	[sflag:s4] =	ssyncset.s32 $0xFFFFF086  }
0x25: {  	[simem:s6], [sflag:s4] =	dma.local [hbm:s3], $0xF7A  }
0x26: {  	[smem:$0x3F9D] =	sst s1;
	(tag) =	ssettag s2;
	_ =	strace s9  }
0x27: {  	s1 =	sld [smem:$0x3FAD]  }
0x28: {  	s2 =	sld [smem:$0x3FAE]  }
0x29: {  	s4 =	sld [smem:$0x3FB0]  }
0x2a: {  	p0 =	seq.s32 s5, $0x0;
	s5 =	sld [smem:$0x3FB1]  }
0x2b: {  	s6 =	sld [smem:$0x3FB2]  }
0x2c: {  	s7 =	sld [smem:$0x3FB3]  }
0x2d: {  	s3 =	simm.s32 $0x108;
	s8 =	sld [smem:$0x3FB4]  }
0x2e: {  	s3 =	simm.s32 @!p0 $0x1082;
	s9 =	sld [smem:$0x3FB5]  }
0x2f: {  	lr =	sadd.s32 s0, s3;
	s0 =	sld [smem:$0x3FAC]  }
0x30: {  	s3 =	sld [smem:$0x3FAF]  }
0x31: {  	[smem:$0x3FB8] =	sst s10  }
0x32: {  	s10 =	sld [smem:$0x3FB6];
	_ =	sdelay $0x3  }
0x33: {  	p0 =	seq.s32 s10, $0x1;
	s10 =	sld [smem:$0x3FB8];
	_ =	sdelay $0x3  }
0x34: {  	[smem:$0x3FB8] =	sst s10  }
0x35: {  	s10 =	sld [smem:$0x3FB7];
	_ =	sdelay $0x3  }
0x36: {  	p1 =	seq.s32 s10, $0x1;
	s10 =	sld [smem:$0x3FB8];
	_ =	sdelay $0x3  }
0x37: {  	[smem:$0x3FB8] =	sst s10  }
0x38: {  	s10 =	sld [smem:$0x3FB9]  }
0x39: {  	_ = 	snop;
	(pc) =	sbr.ind lr, $3  }
0x3a: {  	_ = 	snop  }
0x3b: {  	_ = 	snop  }
0x3c: {  	p2 =	seq.s32 s10, $0x1;
	s10 =	sld [smem:$0x3FB8]  }
0x3d: {  	_ =	shalt  }
0x3e: {  	_ =	shalt  }
0x3f: {  	_ =	shalt  }
0x40: {  	_ =	shalt  }
0x41: {  	_ =	shalt  }
0x42: {  	_ =	shalt  }
0x43: {  	_ =	shalt  }
0x44: {  	_ =	shalt  }
0x45: {  	_ =	shalt  }
0x46: {  	_ =	shalt  }
0x47: {  	_ =	shalt  }
0x48: {  	_ =	shalt  }
0x49: {  	_ =	shalt  }
0x4a: {  	_ =	shalt  }
0x4b: {  	_ =	shalt  }
0x4c: {  	_ =	shalt  }
0x4d: {  	_ =	shalt  }
0x4e: {  	_ =	shalt  }
0x4f: {  	_ =	shalt  }
0x50: {  	_ =	shalt  }
0x51: {  	_ =	shalt  }
0x52: {  	_ =	shalt  }
0x53: {  	_ =	shalt  }
0x54: {  	_ =	shalt  }
0x55: {  	_ =	shalt  }
0x56: {  	_ =	shalt  }
0x57: {  	_ =	shalt  }
0x58: {  	_ =	shalt  }
0x59: {  	_ =	shalt  }
0x5a: {  	_ =	shalt  }
0x5b: {  	_ =	shalt  }
0x5c: {  	_ =	shalt  }
0x5d: {  	_ =	shalt  }
0x5e: {  	_ =	shalt  }
0x5f: {  	_ =	shalt  }
0x60: {  	_ =	shalt  }
0x61: {  	_ =	shalt  }
0x62: {  	_ =	shalt  }
0x63: {  	_ =	shalt  }
0x64: {  	_ =	shalt  }
0x65: {  	_ =	shalt  }
0x66: {  	_ =	shalt  }
0x67: {  	_ =	shalt  }
0x68: {  	_ =	shalt  }
0x69: {  	_ =	shalt  }
0x6a: {  	_ =	shalt  }
0x6b: {  	_ =	shalt  }
0x6c: {  	_ =	shalt  }
0x6d: {  	_ =	shalt  }
0x6e: {  	_ =	shalt  }
0x6f: {  	_ =	shalt  }
0x70: {  	_ =	shalt  }
0x71: {  	_ =	shalt  }
0x72: {  	_ =	shalt  }
0x73: {  	_ =	shalt  }
0x74: {  	_ =	shalt  }
0x75: {  	_ =	shalt  }
0x76: {  	_ =	shalt  }
0x77: {  	_ =	shalt  }
0x78: {  	_ =	shalt  }
0x79: {  	_ =	shalt  }
0x7a: {  	_ =	shalt  }
0x7b: {  	_ =	shalt  }
0x7c: {  	_ =	shalt  }
0x7d: {  	_ =	shalt  }
0x7e: {  	_ =	shalt  }
0x7f: {  	_ =	shalt  }
0x80: {  	_ =	shalt  }
0x81: {  	_ =	shalt  }
0x82: {  	_ =	shalt  }
0x83: {  	_ =	shalt  }
0x84: {  	_ =	shalt  }
0x85: {  	_ =	shalt  }
0x86: {  	_ =	shalt  }
0x87: {  	_ =	shalt  }
.Lfunc_end0:
.L_simem_size_0:
called_computation_lowered:
.L_overlay_start_0:
0x88: {  	s2 =	sld [smem:$0x3FD9]  }
0x89: {  	s3 =	sld [smem:$0x3FFE];
	_ =	sdelay $0x1  }
0x8a: {  	s1 =	srdreg.scid  }
0x8b: {  	s0 =	sand.u32 $0x1, s1  }
0x8c: {  	s17 =	sshll.u32 s0, $0xA;
	s2 =	sadd.s32 s3, s2  }
0x8d: {  	s2 =	sadd.s32 s2, s17  }
0x8e: {  	[smem:$0x3FC4] =	sst s2  }
0x8f: {  	_ = 	snop  }
0x90: {  	s2 =	sld [smem:$0x3FD0];
	(tm) =	ssettm $0x1  }
0x91: {  	s18 =	sld [smem:$0x3FFB];
	_ =	sdelay $0x3  }
0x92: {  	_ =	strace s18  }
0x93: {  	s3 =	sld [smem:$0x3FFC];
	_ =	sdelay $0x3  }
0x94: {  	_ =	strace s3  }
0x95: {  	s3 =	sld [smem:$0x3FFD];
	_ =	sdelay $0x3  }
0x96: {  	_ =	strace s3  }
0x97: {  	_ =	strace $0x8FFFFFFF  }
0x98: {  	s19 =	sld [smem:$0x3FDB];
	_ =	sdelay $0x1  }
0x99: {  	s4 =	simm.s32 $_scs_section_size  }
0x9a: {  	s5 =	simm.s32 $_size__tile_overlayer_lowered;
	s6 =	simm.s32 $_tile_overlayer_lowered  }
0x9b: {  	s22 =	simm.s32 $0x1BFF;
	s21 =	sshll.u32 s6, $0x1;
	s3 =	sadd.s32 s4, s19  }
0x9c: {  	s7 =	simm.s32 $0x0;
	s20 =	sshll.u32 s5, $0x1;
	s5 =	sadd.s32 s21, s3  }
0x9d: {  	[timem:s7], [sflag:s22] =	dma.local [hbm:s5], s20  }
0x9e: {  	_ =	swait.ge [sflag:s22], s20  }
0x9f: {  	s4 =	ssub.s32 $0x0, s20;
	[sflag:s22] =	ssyncset.done $0x0  }
0xa0: {  	[sflag:s22] =	ssyncadd.s32 s4;
	_ =	sdelay $0x1  }
0xa1: {  	s23 =	simm.s32 $0x1B8B  }
0xa2: {  	_ =	swait.ge [sflag:s23], $0x1  }
0xa3: {  	[sflag:s23] =	ssyncset.done $0x0  }
0xa4: {  	s25 =	simm.s32 $0x1B8E;
	s24 =	sld [smem:$0x3FFE];
	[sflag:s23] =	ssyncadd.s32 $0xFFFFFFFF  }
0xa5: {  	s26 =	simm.s32 $execute0_lowered;
	[smem:$0x3FD2] =	sst s25  }
0xa6: {  	s5 =	sshll.u32 s26, $0x1;
	_ =	strace $0x80000046;
	[dreg:$0x1] =	wrdreg $0xFFFFFFFF  }
0xa7: {  	s28 =	simm.s32 $_size_execute0_lowered;
	s3 =	sadd.s32 s3, s5;
	[dreg:$0x0] =	wrdreg $0x0  }
0xa8: {  	s5 =	sshll.u32 s28, $0x1;
	[dreg:$0x2] =	wrdreg s3  }
0xa9: {  	[dreg:$0x3] =	wrdreg s5  }
0xaa: {  	[dreg:$0x4] =	wrdreg $0xC0  }
0xab: {  	_ =	task [dreg:s7], $0x5FFFF  }
0xac: {  	[dreg:$0x1] =	wrdreg $0xFFFFFFFF  }
0xad: {  	[dreg:$0x0] =	wrdreg $0x60  }
0xae: {  	[dreg:$0x2] =	wrdreg s24  }
0xaf: {  	[dreg:$0x3] =	wrdreg s2  }
0xb0: {  	[dreg:$0x4] =	wrdreg $0x9  }
0xb1: {  	_ =	task.clear_ibuf [dreg:s7], $0x5FFFF;
	_ =	strace $0x90000046  }
0xb2: {  	s29 =	simm.s32 $0x9;
	_ =	strace $0x80000048  }
0xb3: {  	_ =	swait.ge [sflag:s29], $0x1  }
0xb4: {  	[sflag:s29] =	ssyncadd.s32 $0xFFFFFFFF  }
0xb5: {  	_ =	strace $0x90000048  }
0xb6: {  	_ =	sfence  }
0xb7: {  	s30 =	sld [smem:$0x0];
	_ =	sdelay $0x2  }
0xb8: {  	s31 =	sshll.u32 s1, $0xD;
	s1 =	sshrl.u32 s1, $0x2  }
0xb9: {  	s3 =	sand.u32 $0x4000, s31;
	s1 =	sadd.s32 s1, s30  }
0xba: {  	s0 =	sor.u32 s3, s0;
	s1 =	sshll.u32 s1, $0x11  }
0xbb: {  	s0 =	sor.u32 s1, s0  }
0xbc: {  	s0 =	sadd.s32 $0x8F2B, s0  }
0xbd: {  	[sflag:s0] =	ssyncadd.remote.s32 $0x1  }
0xbe: {  	_ =	sfence.sel $0xFFFF  }
0xbf: {  	[dreg:$0x0] =	wrdreg $0xFFFFFFFF;
	(pc) =	sbr.abs _section_cstart, $3  }
0xc0: {  	[dreg:$0x1] =	wrdreg $0xFFFFFFFF  }
0xc1: {  	_ =	task.clear_ibuf [dreg:s7], $0x2FFFF;
	_ =	strace $0x9FFFFFFF  }
0xc2: {  	(tm) =	ssettm $0x7FFFFFFF  }
0xc3: {  	_ =	shalt  }
tec
execute0_lowered:
.L_overlay_start_1:
0x0: {  	(tag) =	ssettag $0x1  }
0x1: {  	s3 =	rddreg [dreg:$0x0]  }
0x2: {  	s4 =	rddreg [dreg:$0x1]  }
0x3: {  	s2 =	srdreg.scid;
	s1 =	stileid.u32  }
0x4: {  	s0 =	rddreg [dreg:$0x2];
	s10 =	simm.s32 $0x1;
	s11 =	simm.s32 $0x1400  }
0x5: {  	s12 =	simm.s32 $0x80;
	s5 =	sand.u32 $0x1, s2;
	s6 =	sshll.u32 s1, $0x1  }
0x6: {  	s13 =	simm.s32 $0x400;
	s7 =	sshrl.u32 s1, $0x2;
	s6 =	sor.u32 s5, s6  }
0x7: {  	s2 =	simm.s32 $0x0;
	s7 =	smul.u32 $0x13C00, s7;
	s8 =	sshll.u32 s6, $0x7  }
0x8: {  	[smem:$0x7FF] =	sst s2;
	s6 =	smul.u32 $0x6400, s6;
	s8 =	sand.u32 $0x380, s8  }
0x9: {  	s5 =	ssub.s32 $0x2, s5;
	_ =	strace $0x80000047;
	s7 =	sor.u32 s7, s8  }
0xa: {  	s9 =	sshrl.u32 s5, $0x1;
	s6 =	sshrl.u32 s6, $0x3;
	s7 =	sshrl.u32 s7, $0x3  }
0xb: {  	s5 =	ssub.s32 s5, s9;
	s31 =	sadd.s32 s6, s3;
	s3 =	sadd.s32 s4, s7  }
0xc: {  	s4 =	smax.u32 s5, $0x1;
	s5 =	sadd.s32 $0x1AC00, s31;
	s6 =	sadd.s32 $0x1AE80, s31  }
0xd: {  	v0 =	vimm.f32 $0.0e+00;
	v1 =	vimm.f32 $1.000000000e+00;
	vm0 =	vcmask $0x3F38;
	s7 =	sadd.s32 $0x1B100, s31;
	s8 =	sadd.s32 $0x1B380, s31;
	s9 =	sadd.s32 $0x1B600, s31  }
.LBB2_1:
0xe: {  	s14 =	simm.s32 $0x40;
	s15 =	simm.s32 $0x0  }
.LBB2_2:
0xf: {  	p0 =	sne.s32 s14, $0x9C00;
	[tilespmem:s15+$0x1400] =	vst v0;
	s15 =	smov.u32 s14;
	s14 =	sadd.s32 $0x40, s14  }
.Ltmp0:
0x10: {  	(pc) =	sbr.rel @p0 .LBB2_2-.Ltmp0, $2  }
0x11: {  	_ =	sdelay $0x2  }
0x12: {  	s15 =	sshra.s32 s15, $0x2  }
0x13: {  	[tilespmem:s15+$0x1400] =	vst v0;
	s14 =	simm.s32 $0x0  }
0x14: {  	[tilespmem:s14], [sflag:$0x1] =	stream.linear.gather [hbm4b:s5+s14], $0x1400, $0x38;
	[tilespmem:$0x3B80] =	vst v63  }
0x15: {  	_ =	swait.ge [sflag:s10], $0x1400  }
0x16: {  	[sflag:s10] =	ssyncset.done $0x0  }
0x17: {  	[sflag:s10] =	ssyncadd.s32 $0xFFFFEC00  }
.LBB2_4:
0x18: {  	s15 =	sshra.s32 s14, $0x2  }
0x19: {  	v2 =	vld [tilespmem:s15+$0x0];
	_ =	sdelay $0x7  }
0x1a: {  	[tilespmem:v2+s11+$0x0] =	vst.idx.add.f32.msk $0xffff, v1  }
0x1b: {  	v2 =	vld [tilespmem:s15+$0x10];
	_ =	sdelay $0x7  }
0x1c: {  	[tilespmem:v2+s11+$0x0] =	vst.idx.add.f32.msk $0xffff, v1  }
0x1d: {  	v2 =	vld [tilespmem:s15+$0x20];
	_ =	sdelay $0x7  }
0x1e: {  	[tilespmem:v2+s11+$0x0] =	vst.idx.add.f32.msk $0xffff, v1  }
0x1f: {  	v2 =	vld [tilespmem:s15+$0x22];
	_ =	sdelay $0x2  }
0x20: {  	p0 =	sne.s32 s14, $0x4E00  }
.Ltmp1:
0x21: {  	_ = 	snop;
	(pc) =	sbr.rel @p0 .LBB2_4-.Ltmp1, $2  }
0x22: {  	_ =	sdelay $0x2  }
0x23: {  	s14 =	sadd.s32 $0x200, s14;
	[tilespmem:v2+s11+$0x0] =	vst.idx.add.f32.msk vm0, v1  }
0x24: {  	s14 =	simm.s32 $0x0  }
0x25: {  	[tilespmem:s14], [sflag:$0x1] =	stream.linear.gather [hbm4b:s6+s14], $0x1400, $0x38;
	[tilespmem:$0x3B80] =	vst v63  }
0x26: {  	_ =	swait.ge [sflag:s10], $0x1400  }
0x27: {  	[sflag:s10] =	ssyncset.done $0x0  }
0x28: {  	[sflag:s10] =	ssyncadd.s32 $0xFFFFEC00  }
.LBB2_6:
0x29: {  	s15 =	sshra.s32 s14, $0x2  }
0x2a: {  	v2 =	vld [tilespmem:s15+$0x0];
	_ =	sdelay $0x7  }
0x2b: {  	[tilespmem:v2+s11+$0x0] =	vst.idx.add.f32.msk $0xffff, v1  }
0x2c: {  	v2 =	vld [tilespmem:s15+$0x10];
	_ =	sdelay $0x7  }
0x2d: {  	[tilespmem:v2+s11+$0x0] =	vst.idx.add.f32.msk $0xffff, v1  }
0x2e: {  	v2 =	vld [tilespmem:s15+$0x20];
	_ =	sdelay $0x7  }
0x2f: {  	[tilespmem:v2+s11+$0x0] =	vst.idx.add.f32.msk $0xffff, v1  }
0x30: {  	v2 =	vld [tilespmem:s15+$0x22];
	_ =	sdelay $0x2  }
0x31: {  	p0 =	sne.s32 s14, $0x4E00  }
.Ltmp2:
0x32: {  	_ = 	snop;
	(pc) =	sbr.rel @p0 .LBB2_6-.Ltmp2, $2  }
0x33: {  	_ =	sdelay $0x2  }
0x34: {  	s14 =	sadd.s32 $0x200, s14;
	[tilespmem:v2+s11+$0x0] =	vst.idx.add.f32.msk vm0, v1  }
0x35: {  	s14 =	simm.s32 $0x0  }
0x36: {  	[tilespmem:s14], [sflag:$0x1] =	stream.linear.gather [hbm4b:s7+s14], $0x1400, $0x38;
	[tilespmem:$0x3B80] =	vst v63  }
0x37: {  	_ =	swait.ge [sflag:s10], $0x1400  }
0x38: {  	[sflag:s10] =	ssyncset.done $0x0  }
0x39: {  	[sflag:s10] =	ssyncadd.s32 $0xFFFFEC00  }
.LBB2_8:
0x3a: {  	s15 =	sshra.s32 s14, $0x2  }
0x3b: {  	v2 =	vld [tilespmem:s15+$0x0];
	_ =	sdelay $0x7  }
0x3c: {  	[tilespmem:v2+s11+$0x0] =	vst.idx.add.f32.msk $0xffff, v1  }
0x3d: {  	v2 =	vld [tilespmem:s15+$0x10];
	_ =	sdelay $0x7  }
0x3e: {  	[tilespmem:v2+s11+$0x0] =	vst.idx.add.f32.msk $0xffff, v1  }
0x3f: {  	v2 =	vld [tilespmem:s15+$0x20];
	_ =	sdelay $0x7  }
0x40: {  	[tilespmem:v2+s11+$0x0] =	vst.idx.add.f32.msk $0xffff, v1  }
0x41: {  	v2 =	vld [tilespmem:s15+$0x22];
	_ =	sdelay $0x2  }
0x42: {  	p0 =	sne.s32 s14, $0x4E00  }
.Ltmp3:
0x43: {  	_ = 	snop;
	(pc) =	sbr.rel @p0 .LBB2_8-.Ltmp3, $2  }
0x44: {  	_ =	sdelay $0x2  }
0x45: {  	s14 =	sadd.s32 $0x200, s14;
	[tilespmem:v2+s11+$0x0] =	vst.idx.add.f32.msk vm0, v1  }
0x46: {  	s14 =	simm.s32 $0x0  }
0x47: {  	[tilespmem:s14], [sflag:$0x1] =	stream.linear.gather [hbm4b:s8+s14], $0x1400, $0x38;
	[tilespmem:$0x3B80] =	vst v63  }
0x48: {  	_ =	swait.ge [sflag:s10], $0x1400  }
0x49: {  	[sflag:s10] =	ssyncset.done $0x0  }
0x4a: {  	[sflag:s10] =	ssyncadd.s32 $0xFFFFEC00  }
.LBB2_10:
0x4b: {  	s15 =	sshra.s32 s14, $0x2  }
0x4c: {  	v2 =	vld [tilespmem:s15+$0x0];
	_ =	sdelay $0x7  }
0x4d: {  	[tilespmem:v2+s11+$0x0] =	vst.idx.add.f32.msk $0xffff, v1  }
0x4e: {  	v2 =	vld [tilespmem:s15+$0x10];
	_ =	sdelay $0x7  }
0x4f: {  	[tilespmem:v2+s11+$0x0] =	vst.idx.add.f32.msk $0xffff, v1  }
0x50: {  	v2 =	vld [tilespmem:s15+$0x20];
	_ =	sdelay $0x7  }
0x51: {  	[tilespmem:v2+s11+$0x0] =	vst.idx.add.f32.msk $0xffff, v1  }
0x52: {  	v2 =	vld [tilespmem:s15+$0x22];
	_ =	sdelay $0x2  }
0x53: {  	p0 =	sne.s32 s14, $0x4E00  }
.Ltmp4:
0x54: {  	_ = 	snop;
	(pc) =	sbr.rel @p0 .LBB2_10-.Ltmp4, $2  }
0x55: {  	_ =	sdelay $0x2  }
0x56: {  	s14 =	sadd.s32 $0x200, s14;
	[tilespmem:v2+s11+$0x0] =	vst.idx.add.f32.msk vm0, v1  }
0x57: {  	s14 =	simm.s32 $0x0  }
0x58: {  	[tilespmem:s14], [sflag:$0x1] =	stream.linear.gather [hbm4b:s9+s14], $0x1400, $0x38;
	[tilespmem:$0x3B80] =	vst v63  }
0x59: {  	_ =	swait.ge [sflag:s10], $0x1400  }
0x5a: {  	[sflag:s10] =	ssyncset.done $0x0  }
0x5b: {  	[sflag:s10] =	ssyncadd.s32 $0xFFFFEC00  }
.LBB2_12:
0x5c: {  	s15 =	sshra.s32 s14, $0x2  }
0x5d: {  	v2 =	vld [tilespmem:s15+$0x0];
	_ =	sdelay $0x7  }
0x5e: {  	[tilespmem:v2+s11+$0x0] =	vst.idx.add.f32.msk $0xffff, v1  }
0x5f: {  	v2 =	vld [tilespmem:s15+$0x10];
	_ =	sdelay $0x7  }
0x60: {  	[tilespmem:v2+s11+$0x0] =	vst.idx.add.f32.msk $0xffff, v1  }
0x61: {  	v2 =	vld [tilespmem:s15+$0x20];
	_ =	sdelay $0x7  }
0x62: {  	[tilespmem:v2+s11+$0x0] =	vst.idx.add.f32.msk $0xffff, v1  }
0x63: {  	v2 =	vld [tilespmem:s15+$0x22];
	_ =	sdelay $0x2  }
0x64: {  	p0 =	sne.s32 s14, $0x4E00  }
.Ltmp5:
0x65: {  	_ = 	snop;
	(pc) =	sbr.rel @p0 .LBB2_12-.Ltmp5, $2  }
0x66: {  	_ =	sdelay $0x2  }
0x67: {  	s14 =	sadd.s32 $0x200, s14;
	[tilespmem:v2+s11+$0x0] =	vst.idx.add.f32.msk vm0, v1  }
0x68: {  	s2 =	sadd.s32 $0x1, s2  }
0x69: {  	p0 =	sne.s32 s2, s4  }
.Ltmp6:
0x6a: {  	_ = 	snop;
	(pc) =	sbr.rel @p0 .LBB2_1-.Ltmp6, $4  }
0x6b: {  	[hbm4b:s3+s12] =	stream.strided.scatter [tilespmem:s11], [sflag:$0x1], $0x2780, s13, s12, $0x38;
	[tilespmem:$0x3B80] =	vst v63  }
0x6c: {  	_ =	swait.ge [sflag:s10], $0x2780  }
0x6d: {  	[sflag:s10] =	ssyncset.done $0x0  }
0x6e: {  	[sflag:s10] =	ssyncadd.s32 $0xFFFFD880  }
0x6f: {  	_ =	sfence.sel $0x180000  }
0x70: {  	[bflag:$0x0] =	sbarrier.arrive $0xFFFF  }
0x71: {  	p0 =	sne.s32 s1, $0x0;
	_ =	strace $0x90000047  }
0x72: {  	s0 =	sadd.s32 @!p0 $0x100000, s0;
	[bflag:$0x2] =	sbarrier.arrive $0xFFFF  }
0x73: {  	[sflag:s0] =	ssyncadd.tile.s32 @!p0 $0x1;
	_ =	shalt  }
.Lfunc_end2:
_tile_overlayer_lowered:
.L_overlay_start_2:
0x74: {  	(tag) =	ssettag $0x2  }
0x75: {  	s0 =	rddreg [dreg:$0x0];
	s2 =	stileid.u32  }
0x76: {  	s1 =	rddreg [dreg:$0x1];
	p0 =	sne.s32 s2, $0x0  }
0x77: {  	s3 =	rddreg [dreg:$0x2];
	[bflag:$0x3] =	sbarrier.arrive $0xFFFF;
	s2 =	simm.s32 @!p0 $0x1C01  }
0x78: {  	[timem:s3], [sflag:s2] =	dma.local @!p0 [hbm:s0], s1  }
0x79: {  	s0 =	simm.s32 @!p0 $0x1  }
0x7a: {  	_ =	swait.ge @!p0 [sflag:s0], s1  }
0x7b: {  	s1 =	ssub.s32 @!p0 $0x0, s1;
	[sflag:s0] =	ssyncset.done @!p0 $0x0  }
0x7c: {  	[sflag:s0] =	ssyncadd.s32 @!p0 s1  }
0x7d: {  	[bflag:$0x3] =	sbarrier.arrive $0xFFFF  }
0x7e: {  	_ =	shalt  }

// kernel: kernel.9.cloned.1.call-start
scs
__scs_entry_jumppad:
0x0: {  	(pc) =	sbr.rel $0x88, $3  }
0x1: {  	(tag) =	ssettag $0x0;
	lr =	simm.s32 $0x1  }
0x2: {  	[smem:$0x3F9D] =	sst lr;
	_ =	strace $0xD0000000  }
0x3: {  	_ = 	snop  }
0x4: {  	_ = 	snop  }
0x5: {  	_ = 	snop  }
0x6: {  	_ = 	snop  }
0x7: {  	_ = 	snop  }
__scs_overlays_trampoline_lowered:
0x8: {  	[smem:$0x3FAC] =	sst s0  }
0x9: {  	[smem:$0x3FAD] =	sst s1  }
0xa: {  	[smem:$0x3FAE] =	sst s2  }
0xb: {  	[smem:$0x3FAF] =	sst s3  }
0xc: {  	[smem:$0x3FB0] =	sst s4  }
0xd: {  	[smem:$0x3FB1] =	sst s5  }
0xe: {  	[smem:$0x3FB2] =	sst s6  }
0xf: {  	[smem:$0x3FB3] =	sst s7  }
0x10: {  	[smem:$0x3FB4] =	sst s8  }
0x11: {  	[smem:$0x3FB5] =	sst s9;
	s0 =	simm.s32 @!p0 $0x0  }
0x12: {  	s1 =	sld [smem:$0x3F9B];
	s0 =	simm.s32 @p0 $0x1  }
0x13: {  	[smem:$0x3FB6] =	sst s0;
	s0 =	simm.s32 @!p1 $0x0  }
0x14: {  	s2 =	sld [smem:$0x3F9A];
	s0 =	simm.s32 @p1 $0x1  }
0x15: {  	[smem:$0x3FB7] =	sst s0;
	s0 =	simm.s32 @!p2 $0x0  }
0x16: {  	s3 =	sld [smem:$0x3FDB];
	s0 =	simm.s32 @p2 $0x1  }
0x17: {  	s4 =	simm.s32 $0x1BF5;
	[smem:$0x3FB9] =	sst s0  }
0x18: {  	s0 =	sld [smem:$0x3F9C];
	_ =	swait.ge [sflag:s4], $0x0  }
0x19: {  	s7 =	sld [smem:$0x3F9D]  }
0x1a: {  	s8 =	sadd.s32 $0xFFFFE003, lr  }
0x1b: {  	s9 =	sadd.s32 $0xFFFFFEF7, lr;
	s5 =	simm.s32 $0xFFFFFFFF;
	p2 =	slt.u32 s8, $0xFFFFF086  }
0x1c: {  	p1 =	slt.u32 s9, $0xF7A;
	s5 =	simm.s32 @!p2 $0x0  }
0x1d: {  	s5 =	simm.s32 @p1 $0x1;
	p0 =	seq.s32 s7, s2  }
0x1e: {  	s7 =	smul.u32 @!p0 $0xF7A, s2;
	p2 =	seq.s32 @!p0 s5, $0x0  }
0x1f: {  	s9 =	smul.u32 $0xF7A, s1;
	s8 =	simm.s32 @!p0 $0x1BF5;
	p2 =	por !p2, p0  }
0x20: {  	[sflag:s8] =	ssyncset.s32 @!p0 $0xFFFFF086;
	s6 =	sadd.s32 @!p0 s3, s7;
	s7 =	simm.s32 @!p0 $0x108  }
0x21: {  	s3 =	sadd.s32 s3, s9;
	s6 =	sadd.s32 @!p0 $0x88, s6;
	s7 =	simm.s32 @p2 $0x1082  }
0x22: {  	[simem:s7], [sflag:s8] =	dma.local @!p0 [hbm:s6], $0xF7A  }
0x23: {  	s9 =	sor.u32 $0xD0000000, s2;
	s6 =	simm.s32 $0x108;
	_ =	swait.ge @!p0 [sflag:s8], $0x0  }
0x24: {  	s3 =	sadd.s32 $0x88, s3;
	s6 =	simm.s32 @!p1 $0x1082;
	[sflag:s4] =	ssyncset.s32 $0xFFFFF086  }
0x25: {  	[simem:s6], [sflag:s4] =	dma.local [hbm:s3], $0xF7A  }
0x26: {  	[smem:$0x3F9D] =	sst s1;
	(tag) =	ssettag s2;
	_ =	strace s9  }
0x27: {  	s1 =	sld [smem:$0x3FAD]  }
0x28: {  	s2 =	sld [smem:$0x3FAE]  }
0x29: {  	s4 =	sld [smem:$0x3FB0]  }
0x2a: {  	p0 =	seq.s32 s5, $0x0;
	s5 =	sld [smem:$0x3FB1]  }
0x2b: {  	s6 =	sld [smem:$0x3FB2]  }
0x2c: {  	s7 =	sld [smem:$0x3FB3]  }
0x2d: {  	s3 =	simm.s32 $0x108;
	s8 =	sld [smem:$0x3FB4]  }
0x2e: {  	s3 =	simm.s32 @!p0 $0x1082;
	s9 =	sld [smem:$0x3FB5]  }
0x2f: {  	lr =	sadd.s32 s0, s3;
	s0 =	sld [smem:$0x3FAC]  }
0x30: {  	s3 =	sld [smem:$0x3FAF]  }
0x31: {  	[smem:$0x3FB8] =	sst s10  }
0x32: {  	s10 =	sld [smem:$0x3FB6];
	_ =	sdelay $0x3  }
0x33: {  	p0 =	seq.s32 s10, $0x1;
	s10 =	sld [smem:$0x3FB8];
	_ =	sdelay $0x3  }
0x34: {  	[smem:$0x3FB8] =	sst s10  }
0x35: {  	s10 =	sld [smem:$0x3FB7];
	_ =	sdelay $0x3  }
0x36: {  	p1 =	seq.s32 s10, $0x1;
	s10 =	sld [smem:$0x3FB8];
	_ =	sdelay $0x3  }
0x37: {  	[smem:$0x3FB8] =	sst s10  }
0x38: {  	s10 =	sld [smem:$0x3FB9]  }
0x39: {  	_ = 	snop;
	(pc) =	sbr.ind lr, $3  }
0x3a: {  	_ = 	snop  }
0x3b: {  	_ = 	snop  }
0x3c: {  	p2 =	seq.s32 s10, $0x1;
	s10 =	sld [smem:$0x3FB8]  }
0x3d: {  	_ =	shalt  }
0x3e: {  	_ =	shalt  }
0x3f: {  	_ =	shalt  }
0x40: {  	_ =	shalt  }
0x41: {  	_ =	shalt  }
0x42: {  	_ =	shalt  }
0x43: {  	_ =	shalt  }
0x44: {  	_ =	shalt  }
0x45: {  	_ =	shalt  }
0x46: {  	_ =	shalt  }
0x47: {  	_ =	shalt  }
0x48: {  	_ =	shalt  }
0x49: {  	_ =	shalt  }
0x4a: {  	_ =	shalt  }
0x4b: {  	_ =	shalt  }
0x4c: {  	_ =	shalt  }
0x4d: {  	_ =	shalt  }
0x4e: {  	_ =	shalt  }
0x4f: {  	_ =	shalt  }
0x50: {  	_ =	shalt  }
0x51: {  	_ =	shalt  }
0x52: {  	_ =	shalt  }
0x53: {  	_ =	shalt  }
0x54: {  	_ =	shalt  }
0x55: {  	_ =	shalt  }
0x56: {  	_ =	shalt  }
0x57: {  	_ =	shalt  }
0x58: {  	_ =	shalt  }
0x59: {  	_ =	shalt  }
0x5a: {  	_ =	shalt  }
0x5b: {  	_ =	shalt  }
0x5c: {  	_ =	shalt  }
0x5d: {  	_ =	shalt  }
0x5e: {  	_ =	shalt  }
0x5f: {  	_ =	shalt  }
0x60: {  	_ =	shalt  }
0x61: {  	_ =	shalt  }
0x62: {  	_ =	shalt  }
0x63: {  	_ =	shalt  }
0x64: {  	_ =	shalt  }
0x65: {  	_ =	shalt  }
0x66: {  	_ =	shalt  }
0x67: {  	_ =	shalt  }
0x68: {  	_ =	shalt  }
0x69: {  	_ =	shalt  }
0x6a: {  	_ =	shalt  }
0x6b: {  	_ =	shalt  }
0x6c: {  	_ =	shalt  }
0x6d: {  	_ =	shalt  }
0x6e: {  	_ =	shalt  }
0x6f: {  	_ =	shalt  }
0x70: {  	_ =	shalt  }
0x71: {  	_ =	shalt  }
0x72: {  	_ =	shalt  }
0x73: {  	_ =	shalt  }
0x74: {  	_ =	shalt  }
0x75: {  	_ =	shalt  }
0x76: {  	_ =	shalt  }
0x77: {  	_ =	shalt  }
0x78: {  	_ =	shalt  }
0x79: {  	_ =	shalt  }
0x7a: {  	_ =	shalt  }
0x7b: {  	_ =	shalt  }
0x7c: {  	_ =	shalt  }
0x7d: {  	_ =	shalt  }
0x7e: {  	_ =	shalt  }
0x7f: {  	_ =	shalt  }
0x80: {  	_ =	shalt  }
0x81: {  	_ =	shalt  }
0x82: {  	_ =	shalt  }
0x83: {  	_ =	shalt  }
0x84: {  	_ =	shalt  }
0x85: {  	_ =	shalt  }
0x86: {  	_ =	shalt  }
0x87: {  	_ =	shalt  }
.Lfunc_end0:
.L_simem_size_0:
called_computation.1_lowered:
.L_overlay_start_0:
0x88: {  	s2 =	sld [smem:$0x3FD9]  }
0x89: {  	s3 =	sld [smem:$0x3FFE];
	_ =	sdelay $0x1  }
0x8a: {  	s1 =	srdreg.scid  }
0x8b: {  	s0 =	sand.u32 $0x1, s1  }
0x8c: {  	s17 =	sshll.u32 s0, $0xA;
	s2 =	sadd.s32 s3, s2  }
0x8d: {  	s2 =	sadd.s32 s2, s17  }
0x8e: {  	[smem:$0x3FC4] =	sst s2  }
0x8f: {  	_ = 	snop  }
0x90: {  	s2 =	sld [smem:$0x3FD0];
	(tm) =	ssettm $0x1  }
0x91: {  	s18 =	sld [smem:$0x3FFB];
	_ =	sdelay $0x3  }
0x92: {  	_ =	strace s18  }
0x93: {  	s3 =	sld [smem:$0x3FFC];
	_ =	sdelay $0x3  }
0x94: {  	_ =	strace s3  }
0x95: {  	s3 =	sld [smem:$0x3FFD];
	_ =	sdelay $0x3  }
0x96: {  	_ =	strace s3  }
0x97: {  	_ =	strace $0x8FFFFFFF  }
0x98: {  	s19 =	sld [smem:$0x3FDB];
	_ =	sdelay $0x1  }
0x99: {  	s4 =	simm.s32 $_scs_section_size  }
0x9a: {  	s5 =	simm.s32 $_size__tile_overlayer_lowered;
	s6 =	simm.s32 $_tile_overlayer_lowered  }
0x9b: {  	s22 =	simm.s32 $0x1BFF;
	s21 =	sshll.u32 s6, $0x1;
	s3 =	sadd.s32 s4, s19  }
0x9c: {  	s7 =	simm.s32 $0x0;
	s20 =	sshll.u32 s5, $0x1;
	s5 =	sadd.s32 s21, s3  }
0x9d: {  	[timem:s7], [sflag:s22] =	dma.local [hbm:s5], s20  }
0x9e: {  	_ =	swait.ge [sflag:s22], s20  }
0x9f: {  	s4 =	ssub.s32 $0x0, s20;
	[sflag:s22] =	ssyncset.done $0x0  }
0xa0: {  	[sflag:s22] =	ssyncadd.s32 s4;
	_ =	sdelay $0x1  }
0xa1: {  	s23 =	simm.s32 $0x1B8B  }
0xa2: {  	_ =	swait.ge [sflag:s23], $0x1  }
0xa3: {  	[sflag:s23] =	ssyncset.done $0x0  }
0xa4: {  	s25 =	simm.s32 $0x1B8E;
	s24 =	sld [smem:$0x3FFE];
	[sflag:s23] =	ssyncadd.s32 $0xFFFFFFFF  }
0xa5: {  	s26 =	simm.s32 $execute0_lowered;
	[smem:$0x3FD2] =	sst s25  }
0xa6: {  	s5 =	sshll.u32 s26, $0x1;
	_ =	strace $0x80000049;
	[dreg:$0x1] =	wrdreg $0xFFFFFFFF  }
0xa7: {  	s28 =	simm.s32 $_size_execute0_lowered;
	s3 =	sadd.s32 s3, s5;
	[dreg:$0x0] =	wrdreg $0x0  }
0xa8: {  	s5 =	sshll.u32 s28, $0x1;
	[dreg:$0x2] =	wrdreg s3  }
0xa9: {  	[dreg:$0x3] =	wrdreg s5  }
0xaa: {  	[dreg:$0x4] =	wrdreg $0xC0  }
0xab: {  	_ =	task [dreg:s7], $0x5FFFF  }
0xac: {  	[dreg:$0x1] =	wrdreg $0xFFFFFFFF  }
0xad: {  	[dreg:$0x0] =	wrdreg $0x60  }
0xae: {  	[dreg:$0x2] =	wrdreg s2  }
0xaf: {  	[dreg:$0x3] =	wrdreg s24  }
0xb0: {  	[dreg:$0x4] =	wrdreg $0xB8000  }
0xb1: {  	[dreg:$0x5] =	wrdreg $0x9  }
0xb2: {  	_ =	task.clear_ibuf [dreg:s7], $0x6FFFF;
	_ =	strace $0x90000049  }
0xb3: {  	s29 =	simm.s32 $0x9;
	_ =	strace $0x8000004B  }
0xb4: {  	_ =	swait.ge [sflag:s29], $0x1  }
0xb5: {  	[sflag:s29] =	ssyncadd.s32 $0xFFFFFFFF  }
0xb6: {  	_ =	strace $0x9000004B  }
0xb7: {  	_ =	sfence  }
0xb8: {  	s30 =	sld [smem:$0x0];
	_ =	sdelay $0x2  }
0xb9: {  	s31 =	sshll.u32 s1, $0xD;
	s1 =	sshrl.u32 s1, $0x2  }
0xba: {  	s3 =	sand.u32 $0x4000, s31;
	s1 =	sadd.s32 s1, s30  }
0xbb: {  	s0 =	sor.u32 s3, s0;
	s1 =	sshll.u32 s1, $0x11  }
0xbc: {  	s0 =	sor.u32 s1, s0  }
0xbd: {  	s0 =	sadd.s32 $0x8F2B, s0  }
0xbe: {  	[sflag:s0] =	ssyncadd.remote.s32 $0x1  }
0xbf: {  	_ =	sfence.sel $0xFFFF  }
0xc0: {  	[dreg:$0x0] =	wrdreg $0xFFFFFFFF;
	(pc) =	sbr.abs _section_cstart, $3  }
0xc1: {  	[dreg:$0x1] =	wrdreg $0xFFFFFFFF  }
0xc2: {  	_ =	task.clear_ibuf [dreg:s7], $0x2FFFF;
	_ =	strace $0x9FFFFFFF  }
0xc3: {  	(tm) =	ssettm $0x7FFFFFFF  }
tec
execute0_lowered:
.L_overlay_start_1:
0x0: {  	(tag) =	ssettag $0x1  }
0x1: {  	s1 =	stileid.u32  }
0x2: {  	s4 =	srdreg.scid;
	s8 =	smul.u32 $0xA000, s1  }
0x3: {  	s4 =	sand.u32 $0x1, s4;
	s9 =	smul.u32 $0x500, s1  }
0x4: {  	s10 =	sor.u32 $0x10, s1;
	s7 =	smul.u32 $0x27100, s4  }
0x5: {  	s11 =	smul.u32 $0xA000, s10  }
0x6: {  	s17 =	sor.u32 $0x20, s1;
	s30 =	smul.u32 $0x500, s10  }
0x7: {  	s18 =	smul.u32 $0xA000, s17  }
0x8: {  	s12 =	sor.u32 $0x30, s1;
	s10 =	smul.u32 $0x500, s17  }
0x9: {  	s2 =	rddreg [dreg:$0x0];
	s13 =	smul.u32 $0xA000, s12  }
0xa: {  	s0 =	rddreg [dreg:$0x1];
	s14 =	sor.u32 $0x40, s1;
	s12 =	smul.u32 $0x500, s12  }
0xb: {  	s3 =	rddreg [dreg:$0x2];
	s24 =	simm.s32 $0x0;
	s15 =	smul.u32 $0xA000, s14  }
0xc: {  	s28 =	simm.s32 $0x32;
	s16 =	sor.u32 $0x50, s1;
	s14 =	smul.u32 $0x500, s14  }
0xd: {  	s29 =	simm.s32 $0x2800;
	s20 =	sor.u32 $0x70, s1;
	s17 =	smul.u32 $0xA000, s16  }
0xe: {  	s31 =	simm.s32 $0x4400;
	s5 =	sshll.u32 s1, $0x1;
	s21 =	smul.u32 $0xA000, s20  }
0xf: {  	[smem:$0x7FF] =	sst s24;
	s6 =	sadd.s32 $0x1C00, s0;
	s16 =	smul.u32 $0x500, s16  }
0x10: {  	s5 =	sor.u32 s4, s5;
	p0 =	sgt.u32 s20, $0x7C;
	s20 =	smul.u32 $0x500, s20  }
0x11: {  	_ =	strace $0x8000004A;
	s4 =	ssub.s32 $0x2, s4;
	s5 =	smul.u32 $0x6400, s5  }
0x12: {  	s26 =	sshrl.u32 s4, $0x1;
	s8 =	sshrl.u32 s8, $0x2;
	s0 =	sadd.s32 s7, s0  }
0x13: {  	s4 =	ssub.s32 s4, s26;
	s8 =	sadd.s32 s8, s3;
	s11 =	sshrl.u32 s11, $0x2  }
0x14: {  	s13 =	sshrl.u32 s13, $0x2;
	s15 =	sshrl.u32 s15, $0x2;
	s17 =	sshrl.u32 s17, $0x2  }
0x15: {  	s25 =	sshrl.u32 s21, $0x2;
	s26 =	sshll.u32 s1, $0xA;
	s0 =	sadd.s32 $0x33C00, s0  }
0x16: {  	s4 =	smax.u32 s4, $0x1;
	s11 =	sadd.s32 s11, s3;
	s13 =	sadd.s32 s13, s3  }
0x17: {  	s15 =	sadd.s32 s15, s3;
	s22 =	sadd.s32 s17, s3;
	s21 =	sadd.s32 s26, s3  }
0x18: {  	s17 =	simm.s32 $0xB;
	[dreg:$0x5] =	wrdreg s4;
	s4 =	sshrl.u32 s18, $0x2  }
0x19: {  	s18 =	sor.u32 $0x60, s1;
	[dreg:$0x6] =	wrdreg s21;
	s9 =	sadd.s32 s9, s0  }
0x1a: {  	s7 =	sadd.s32 s30, s0;
	s30 =	sadd.s32 s10, s0;
	s10 =	sadd.s32 s14, s0  }
0x1b: {  	s26 =	sshrl.u32 s22, $0x3;
	s22 =	simm.s32 $0x9;
	[dreg:$0x7] =	wrdreg s9  }
0x1c: {  	s4 =	sadd.s32 s4, s3;
	s19 =	smul.u32 $0xA000, s18;
	[dreg:$0x8] =	wrdreg s7  }
0x1d: {  	s23 =	smul.u32 $0x500, s18;
	s18 =	sadd.s32 s25, s3;
	[dreg:$0x9] =	wrdreg s30  }
0x1e: {  	s9 =	sadd.s32 s12, s0;
	[dreg:$0xb] =	wrdreg s10;
	s12 =	sadd.s32 s16, s0  }
0x1f: {  	s16 =	sshrl.u32 s8, $0x3;
	s25 =	sshrl.u32 s15, $0x3;
	[dreg:$0x14] =	wrdreg s26  }
0x20: {  	s7 =	simm.s32 $0x6000;
	s10 =	simm.s32 $0x7C00;
	[dreg:$0xa] =	wrdreg s9  }
0x21: {  	s15 =	simm.s32 $0x3;
	s8 =	simm.s32 $0x2680;
	[dreg:$0xc] =	wrdreg s12  }
0x22: {  	s26 =	simm.s32 $0x2780;
	[dreg:$0xf] =	wrdreg s16;
	s21 =	sshrl.u32 s4, $0x3  }
0x23: {  	[dreg:$0x13] =	wrdreg s25;
	s12 =	simm.s32 $0x9800;
	s16 =	simm.s32 $0x4  }
0x24: {  	s25 =	simm.s32 $0x2600;
	s14 =	sadd.s32 s23, s0;
	[dreg:$0x11] =	wrdreg s21  }
0x25: {  	s4 =	simm.s32 $0x2700;
	s0 =	sadd.s32 @!p0 s20, s0;
	[dreg:$0xd] =	wrdreg s14  }
0x26: {  	s19 =	sshrl.u32 s19, $0x2;
	s20 =	sshrl.u32 s11, $0x3;
	[dreg:$0xe] =	wrdreg s0  }
0x27: {  	s23 =	sshrl.u32 s13, $0x3;
	s13 =	simm.s32 $0x1;
	[dreg:$0x10] =	wrdreg s20  }
0x28: {  	s21 =	simm.s32 $0x8;
	s19 =	sadd.s32 s19, s3;
	[dreg:$0x12] =	wrdreg s23  }
0x29: {  	s0 =	sshrl.u32 @!p0 s18, $0x3;
	s14 =	simm.s32 $0x2;
	s18 =	simm.s32 $0x5  }
0x2a: {  	s20 =	simm.s32 $0x7;
	s30 =	sshrl.u32 s19, $0x3;
	[dreg:$0x16] =	wrdreg s0  }
0x2b: {  	v0 =	vimm.f32 $0.0e+00;
	s23 =	simm.s32 $0xA;
	s19 =	simm.s32 $0x6;
	[dreg:$0x15] =	wrdreg s30  }
.LBB2_1:
0x2c: {  	[dreg:$0x4] =	wrdreg s24;
	s0 =	simm.s32 $0x0;
	s9 =	simm.s32 $0x0  }
.LBB2_2:
0x2d: {  	p1 =	sne.s32 s9, $0xFC0  }
.Ltmp0:
0x2e: {  	_ = 	snop;
	(pc) =	sbr.rel @p1 .LBB2_2-.Ltmp0, $4  }
0x2f: {  	s11 =	sand.u32 $0xE00, s9  }
0x30: {  	s30 =	sand.u32 $0x70, s0;
	s11 =	sshrl.u32 s11, $0x2  }
0x31: {  	s11 =	sor.u32 s30, s11  }
0x32: {  	s0 =	sadd.s32 $0x10, s0;
	s9 =	sadd.s32 $0x40, s9;
	[tilespmem:s11+$0xB400] =	vst v0  }
0x33: {  	s0 =	sadd.s32 $0x0, s1  }
0x34: {  	p1 =	sgt.u32 s0, $0x4E1  }
0x35: {  	s24 =	rddreg [dreg:$0x6];
	s0 =	simm.s32 @!p1 $0xB400;
	s30 =	simm.s32 @!p1 $0xB  }
0x36: {  	[spmem:s24] =	stream.linear.scatter @!p1 [tilespmem:s0], [sflag:$0xB], $0x400, $0x38;
	[tilespmem:$0x1F080] =	vst v63  }
0x37: {  	s9 =	simm.s32 $0x10;
	_ =	swait.ge @!p1 [sflag:s30], $0x400  }
0x38: {  	s11 =	simm.s32 $0x20;
	s0 =	sadd.s32 $0x4000, s24;
	[sflag:s30] =	ssyncset.done @!p1 $0x0  }
.LBB2_4:
0x39: {  	s24 =	sadd.s32 s9, s1;
	s9 =	smov.u32 s11;
	s11 =	sadd.s32 $0x10, s11  }
0x3a: {  	[sflag:s30] =	ssyncadd.s32 @!p1 $0xFFFFFC00;
	p2 =	sne.s32 s11, $0x4F0  }
.Ltmp1:
0x3b: {  	p1 =	sgt.u32 s24, $0x4E1;
	(pc) =	sbr.rel @p2 .LBB2_4-.Ltmp1, $4  }
0x3c: {  	s24 =	simm.s32 @!p1 $0xB400;
	s30 =	simm.s32 @!p1 $0xB  }
0x3d: {  	[spmem:s0] =	stream.linear.scatter @!p1 [tilespmem:s24], [sflag:$0xB], $0x400, $0x38;
	[tilespmem:$0x1F080] =	vst v63  }
0x3e: {  	_ =	swait.ge @!p1 [sflag:s30], $0x400  }
0x3f: {  	s0 =	sadd.s32 $0x4000, s0;
	[sflag:s30] =	ssyncset.done @!p1 $0x0  }
0x40: {  	s9 =	sadd.s32 s9, s1  }
0x41: {  	p2 =	sgt.u32 s9, $0x4E1  }
0x42: {  	[sflag:s30] =	ssyncadd.s32 @!p1 $0xFFFFFC00;
	s9 =	simm.s32 @!p2 $0xB400;
	s11 =	simm.s32 @!p2 $0xB  }
0x43: {  	[spmem:s0] =	stream.linear.scatter @!p2 [tilespmem:s9], [sflag:$0xB], $0x400, $0x38;
	[tilespmem:$0x1F080] =	vst v63  }
0x44: {  	_ =	swait.ge @!p2 [sflag:s11], $0x400  }
0x45: {  	[sflag:s11] =	ssyncset.done @!p2 $0x0  }
0x46: {  	[sflag:s11] =	ssyncadd.s32 @!p2 $0xFFFFFC00  }
0x47: {  	s30 =	simm.s32 $0x0;
	s0 =	simm.s32 $0x0;
	[bflag:$0x0] =	sbarrier.arrive $0xFFFF  }
.LBB2_6:
0x48: {  	s9 =	smul.u32 $0x1400, s0;
	_ =	sdelay $0x1  }
0x49: {  	s9 =	sadd.s32 s5, s9  }
0x4a: {  	s9 =	sshrl.u32 s9, $0x3  }
0x4b: {  	s9 =	sadd.s32 s6, s9  }
0x4c: {  	[tilespmem:s30], [sflag:$0xB] =	stream.linear.gather [hbm4b:s9+s30], $0x1400, $0x38;
	[tilespmem:$0x1F080] =	vst v63  }
0x4d: {  	_ =	swait.ge [sflag:s17], $0x1400  }
0x4e: {  	[sflag:s17] =	ssyncset.done $0x0  }
0x4f: {  	s11 =	simm.s32 $0x1400;
	s9 =	sadd.s32 $0x19000, s9;
	[sflag:s17] =	ssyncadd.s32 $0xFFFFEC00  }
0x50: {  	[tilespmem:s11], [sflag:$0xB] =	stream.linear.gather [hbm4b:s9+s30], $0x1400, $0x38;
	[tilespmem:$0x1F080] =	vst v63  }
0x51: {  	_ =	swait.ge [sflag:s17], $0x1400  }
0x52: {  	[sflag:s17] =	ssyncset.done $0x0  }
0x53: {  	[sflag:s17] =	ssyncadd.s32 $0xFFFFEC00  }
0x54: {  	[tilespmem:s29], [sflag:$0x1] =	stream.indirect.gather [hbm4b:s2+s28], $0x80, s30, s28, $0xb8;
	[tilespmem:$0x1F080] =	vst v63  }
0x55: {  	s24 =	simm.s32 $0x80  }
0x56: {  	[tilespmem:s31], [sflag:$0x2] =	stream.indirect.gather [hbm4b:s2+s28], $0x80, s24, s28, $0xb8;
	[tilespmem:$0x1F080] =	vst v63  }
0x57: {  	s11 =	simm.s32 $0x100  }
0x58: {  	[tilespmem:s7], [sflag:$0x3] =	stream.indirect.gather [hbm4b:s2+s28], $0x80, s11, s28, $0xb8;
	[tilespmem:$0x1F080] =	vst v63  }
0x59: {  	s24 =	simm.s32 $0x180  }
0x5a: {  	[tilespmem:s10], [sflag:$0x4] =	stream.indirect.gather [hbm4b:s2+s28], $0x80, s24, s28, $0xb8;
	[tilespmem:$0x1F080] =	vst v63  }
0x5b: {  	s11 =	simm.s32 $0x200  }
0x5c: {  	[tilespmem:s12], [sflag:$0x5] =	stream.indirect.gather [hbm4b:s2+s28], $0x80, s11, s28, $0xb8;
	[tilespmem:$0x1F080] =	vst v63  }
0x5d: {  	_ =	swait.ge [sflag:s13], $0x1900  }
0x5e: {  	[sflag:s13] =	ssyncset.done $0x0  }
0x5f: {  	s24 =	simm.s32 $0x1400;
	[sflag:s13] =	ssyncadd.s32 $0xFFFFE700  }
0x60: {  	[spmem:s3] =	stream.indirect.scatter.add.f32 [tilespmem:s29], [sflag:$0x6], $0x80, s24, s28, $0xb8;
	[tilespmem:$0x1F080] =	vst v63  }
0x61: {  	_ =	swait.ge [sflag:s14], $0x1900  }
0x62: {  	[sflag:s14] =	ssyncset.done $0x0  }
0x63: {  	s11 =	simm.s32 $0x1480;
	[sflag:s14] =	ssyncadd.s32 $0xFFFFE700  }
0x64: {  	[spmem:s3] =	stream.indirect.scatter.add.f32 [tilespmem:s31], [sflag:$0x7], $0x80, s11, s28, $0xb8;
	[tilespmem:$0x1F080] =	vst v63  }
0x65: {  	_ =	swait.ge [sflag:s15], $0x1900  }
0x66: {  	[sflag:s15] =	ssyncset.done $0x0  }
0x67: {  	s24 =	simm.s32 $0x1500;
	[sflag:s15] =	ssyncadd.s32 $0xFFFFE700  }
0x68: {  	[spmem:s3] =	stream.indirect.scatter.add.f32 [tilespmem:s7], [sflag:$0x8], $0x80, s24, s28, $0xb8;
	[tilespmem:$0x1F080] =	vst v63  }
0x69: {  	_ =	swait.ge [sflag:s16], $0x1900  }
0x6a: {  	[sflag:s16] =	ssyncset.done $0x0  }
0x6b: {  	s11 =	simm.s32 $0x1580;
	[sflag:s16] =	ssyncadd.s32 $0xFFFFE700  }
0x6c: {  	[spmem:s3] =	stream.indirect.scatter.add.f32 [tilespmem:s10], [sflag:$0x9], $0x80, s11, s28, $0xb8;
	[tilespmem:$0x1F080] =	vst v63  }
0x6d: {  	_ =	swait.ge [sflag:s18], $0x1900  }
0x6e: {  	[sflag:s18] =	ssyncset.done $0x0  }
0x6f: {  	s24 =	simm.s32 $0x1600;
	[sflag:s18] =	ssyncadd.s32 $0xFFFFE700  }
0x70: {  	[spmem:s3] =	stream.indirect.scatter.add.f32 [tilespmem:s12], [sflag:$0xA], $0x80, s24, s28, $0xb8;
	[tilespmem:$0x1F080] =	vst v63  }
0x71: {  	_ =	swait.ge [sflag:s19], $0x1900  }
0x72: {  	[sflag:s19] =	ssyncset.done $0x0  }
0x73: {  	s11 =	simm.s32 $0x280;
	[sflag:s19] =	ssyncadd.s32 $0xFFFFE700  }
0x74: {  	[tilespmem:s29], [sflag:$0x1] =	stream.indirect.gather [hbm4b:s2+s28], $0x80, s11, s28, $0xb8;
	[tilespmem:$0x1F080] =	vst v63  }
0x75: {  	_ =	swait.ge [sflag:s20], $0x1900  }
0x76: {  	[sflag:s20] =	ssyncset.done $0x0  }
0x77: {  	s24 =	simm.s32 $0x300;
	[sflag:s20] =	ssyncadd.s32 $0xFFFFE700  }
0x78: {  	[tilespmem:s31], [sflag:$0x2] =	stream.indirect.gather [hbm4b:s2+s28], $0x80, s24, s28, $0xb8;
	[tilespmem:$0x1F080] =	vst v63  }
0x79: {  	_ =	swait.ge [sflag:s21], $0x1900  }
0x7a: {  	[sflag:s21] =	ssyncset.done $0x0  }
0x7b: {  	s11 =	simm.s32 $0x380;
	[sflag:s21] =	ssyncadd.s32 $0xFFFFE700  }
0x7c: {  	[tilespmem:s7], [sflag:$0x3] =	stream.indirect.gather [hbm4b:s2+s28], $0x80, s11, s28, $0xb8;
	[tilespmem:$0x1F080] =	vst v63  }
0x7d: {  	_ =	swait.ge [sflag:s22], $0x1900  }
0x7e: {  	[sflag:s22] =	ssyncset.done $0x0  }
0x7f: {  	s24 =	simm.s32 $0x400;
	[sflag:s22] =	ssyncadd.s32 $0xFFFFE700  }
0x80: {  	[tilespmem:s10], [sflag:$0x4] =	stream.indirect.gather [hbm4b:s2+s28], $0x80, s24, s28, $0xb8;
	[tilespmem:$0x1F080] =	vst v63  }
0x81: {  	_ =	swait.ge [sflag:s23], $0x1900  }
0x82: {  	[sflag:s23] =	ssyncset.done $0x0  }
0x83: {  	s9 =	simm.s32 $0xA00;
	s11 =	simm.s32 $0x480;
	[sflag:s23] =	ssyncadd.s32 $0xFFFFE700  }
.LBB2_7:
0x84: {  	[tilespmem:s12], [sflag:$0x5] =	stream.indirect.gather [hbm4b:s2+s28], $0x80, s11, s28, $0xb8;
	[tilespmem:$0x1F080] =	vst v63  }
0x85: {  	s11 =	smov.u32 s9  }
0x86: {  	p1 =	sne.s32 s9, $0x3C00;
	s9 =	sadd.s32 $0xA00, s9;
	_ =	swait.ge [sflag:s13], $0x1900  }
0x87: {  	s11 =	sshra.s32 s11, $0x2;
	[sflag:s13] =	ssyncset.done $0x0  }
0x88: {  	s24 =	sadd.s32 $0x1400, s11;
	[sflag:s13] =	ssyncadd.s32 $0xFFFFE700  }
0x89: {  	[spmem:s3] =	stream.indirect.scatter.add.f32 [tilespmem:s29], [sflag:$0x6], $0x80, s24, s28, $0xb8;
	[tilespmem:$0x1F080] =	vst v63  }
0x8a: {  	_ =	swait.ge [sflag:s14], $0x1900  }
0x8b: {  	[sflag:s14] =	ssyncset.done $0x0  }
0x8c: {  	s24 =	sadd.s32 $0x1480, s11;
	[sflag:s14] =	ssyncadd.s32 $0xFFFFE700  }
0x8d: {  	[spmem:s3] =	stream.indirect.scatter.add.f32 [tilespmem:s31], [sflag:$0x7], $0x80, s24, s28, $0xb8;
	[tilespmem:$0x1F080] =	vst v63  }
0x8e: {  	_ =	swait.ge [sflag:s15], $0x1900  }
0x8f: {  	[sflag:s15] =	ssyncset.done $0x0  }
0x90: {  	s24 =	sadd.s32 $0x1500, s11;
	[sflag:s15] =	ssyncadd.s32 $0xFFFFE700  }
0x91: {  	[spmem:s3] =	stream.indirect.scatter.add.f32 [tilespmem:s7], [sflag:$0x8], $0x80, s24, s28, $0xb8;
	[tilespmem:$0x1F080] =	vst v63  }
0x92: {  	_ =	swait.ge [sflag:s16], $0x1900  }
0x93: {  	[sflag:s16] =	ssyncset.done $0x0  }
0x94: {  	s24 =	sadd.s32 $0x1580, s11;
	[sflag:s16] =	ssyncadd.s32 $0xFFFFE700  }
0x95: {  	[spmem:s3] =	stream.indirect.scatter.add.f32 [tilespmem:s10], [sflag:$0x9], $0x80, s24, s28, $0xb8;
	[tilespmem:$0x1F080] =	vst v63  }
0x96: {  	_ =	swait.ge [sflag:s18], $0x1900  }
0x97: {  	[sflag:s18] =	ssyncset.done $0x0  }
0x98: {  	s24 =	sadd.s32 $0x1600, s11;
	[sflag:s18] =	ssyncadd.s32 $0xFFFFE700  }
0x99: {  	[spmem:s3] =	stream.indirect.scatter.add.f32 [tilespmem:s12], [sflag:$0xA], $0x80, s24, s28, $0xb8;
	[tilespmem:$0x1F080] =	vst v63  }
0x9a: {  	_ =	swait.ge [sflag:s19], $0x1900  }
0x9b: {  	[sflag:s19] =	ssyncset.done $0x0  }
0x9c: {  	s24 =	sadd.s32 $0x280, s11;
	[sflag:s19] =	ssyncadd.s32 $0xFFFFE700  }
0x9d: {  	[tilespmem:s29], [sflag:$0x1] =	stream.indirect.gather [hbm4b:s2+s28], $0x80, s24, s28, $0xb8;
	[tilespmem:$0x1F080] =	vst v63  }
0x9e: {  	_ =	swait.ge [sflag:s20], $0x1900  }
0x9f: {  	[sflag:s20] =	ssyncset.done $0x0  }
0xa0: {  	s24 =	sadd.s32 $0x300, s11;
	[sflag:s20] =	ssyncadd.s32 $0xFFFFE700  }
0xa1: {  	[tilespmem:s31], [sflag:$0x2] =	stream.indirect.gather [hbm4b:s2+s28], $0x80, s24, s28, $0xb8;
	[tilespmem:$0x1F080] =	vst v63  }
0xa2: {  	_ =	swait.ge [sflag:s21], $0x1900  }
0xa3: {  	[sflag:s21] =	ssyncset.done $0x0  }
0xa4: {  	s24 =	sadd.s32 $0x380, s11;
	[sflag:s21] =	ssyncadd.s32 $0xFFFFE700  }
0xa5: {  	[tilespmem:s7], [sflag:$0x3] =	stream.indirect.gather [hbm4b:s2+s28], $0x80, s24, s28, $0xb8;
	[tilespmem:$0x1F080] =	vst v63  }
0xa6: {  	_ =	swait.ge [sflag:s22], $0x1900  }
0xa7: {  	[sflag:s22] =	ssyncset.done $0x0  }
.Ltmp2:
0xa8: {  	s24 =	sadd.s32 $0x400, s11;
	[sflag:s22] =	ssyncadd.s32 $0xFFFFE700;
	(pc) =	sbr.rel @p1 .LBB2_7-.Ltmp2, $4  }
0xa9: {  	[tilespmem:s10], [sflag:$0x4] =	stream.indirect.gather [hbm4b:s2+s28], $0x80, s24, s28, $0xb8;
	[tilespmem:$0x1F080] =	vst v63  }
0xaa: {  	_ =	swait.ge [sflag:s23], $0x1900  }
0xab: {  	[sflag:s23] =	ssyncset.done $0x0  }
0xac: {  	s11 =	sadd.s32 $0x480, s11;
	[sflag:s23] =	ssyncadd.s32 $0xFFFFE700  }
0xad: {  	[tilespmem:s12], [sflag:$0x5] =	stream.indirect.gather [hbm4b:s2+s28], $0x80, s11, s28, $0xb8;
	[tilespmem:$0x1F080] =	vst v63  }
0xae: {  	_ =	swait.ge [sflag:s13], $0x1900  }
0xaf: {  	[sflag:s13] =	ssyncset.done $0x0  }
0xb0: {  	s9 =	simm.s32 $0x2580;
	[sflag:s13] =	ssyncadd.s32 $0xFFFFE700  }
0xb1: {  	[spmem:s3] =	stream.indirect.scatter.add.f32 [tilespmem:s29], [sflag:$0x6], $0x80, s9, s28, $0xb8;
	[tilespmem:$0x1F080] =	vst v63  }
0xb2: {  	_ =	swait.ge [sflag:s14], $0x1900  }
0xb3: {  	[sflag:s14] =	ssyncset.done $0x0  }
0xb4: {  	[sflag:s14] =	ssyncadd.s32 $0xFFFFE700  }
0xb5: {  	[spmem:s3] =	stream.indirect.scatter.add.f32 [tilespmem:s31], [sflag:$0x7], $0x80, s25, s28, $0xb8;
	[tilespmem:$0x1F080] =	vst v63  }
0xb6: {  	_ =	swait.ge [sflag:s15], $0x1900  }
0xb7: {  	[sflag:s15] =	ssyncset.done $0x0  }
0xb8: {  	[sflag:s15] =	ssyncadd.s32 $0xFFFFE700  }
0xb9: {  	[spmem:s3] =	stream.indirect.scatter.add.f32 [tilespmem:s7], [sflag:$0x8], $0x80, s8, s28, $0xb8;
	[tilespmem:$0x1F080] =	vst v63  }
0xba: {  	_ =	swait.ge [sflag:s16], $0x1900  }
0xbb: {  	[sflag:s16] =	ssyncset.done $0x0  }
0xbc: {  	[sflag:s16] =	ssyncadd.s32 $0xFFFFE700  }
0xbd: {  	[spmem:s3] =	stream.indirect.scatter.add.f32 [tilespmem:s10], [sflag:$0x9], $0x80, s4, s28, $0xb8;
	[tilespmem:$0x1F080] =	vst v63  }
0xbe: {  	_ =	swait.ge [sflag:s18], $0x1900  }
0xbf: {  	[sflag:s18] =	ssyncset.done $0x0  }
0xc0: {  	[sflag:s18] =	ssyncadd.s32 $0xFFFFE700  }
0xc1: {  	[spmem:s3] =	stream.indirect.scatter.add.f32 [tilespmem:s12], [sflag:$0xA], $0x80, s26, s28, $0xb8;
	[tilespmem:$0x1F080] =	vst v63  }
0xc2: {  	_ =	swait.ge [sflag:s19], $0x1900  }
0xc3: {  	[sflag:s19] =	ssyncset.done $0x0  }
0xc4: {  	[sflag:s19] =	ssyncadd.s32 $0xFFFFE700  }
0xc5: {  	_ =	swait.ge [sflag:s20], $0x1900  }
0xc6: {  	[sflag:s20] =	ssyncset.done $0x0  }
0xc7: {  	[sflag:s20] =	ssyncadd.s32 $0xFFFFE700  }
0xc8: {  	_ =	swait.ge [sflag:s21], $0x1900  }
0xc9: {  	[sflag:s21] =	ssyncset.done $0x0  }
0xca: {  	s0 =	sadd.s32 $0x1, s0;
	[sflag:s21] =	ssyncadd.s32 $0xFFFFE700  }
0xcb: {  	p1 =	sne.s32 s0, $0x5;
	_ =	swait.ge [sflag:s22], $0x1900  }
.Ltmp3:
0xcc: {  	[sflag:s22] =	ssyncset.done $0x0;
	(pc) =	sbr.rel @p1 .LBB2_6-.Ltmp3, $4  }
0xcd: {  	[sflag:s22] =	ssyncadd.s32 $0xFFFFE700  }
0xce: {  	_ =	swait.ge [sflag:s23], $0x1900  }
0xcf: {  	[sflag:s23] =	ssyncset.done $0x0  }
0xd0: {  	[sflag:s23] =	ssyncadd.s32 $0xFFFFE700  }
0xd1: {  	[bflag:$0x0] =	sbarrier.arrive $0xFFFF  }
0xd2: {  	s0 =	sshll.u32 s1, $0x6;
	s9 =	rddreg [dreg:$0x7]  }
0xd3: {  	s0 =	sor.u32 $0x1C0B, s0;
	s11 =	rddreg [dreg:$0xf]  }
0xd4: {  	[hbm:s9], [sflag:s0] =	dma.local [spmem:s11], $0x500  }
0xd5: {  	_ =	swait.ge [sflag:s17], $0x500  }
0xd6: {  	[sflag:s17] =	ssyncset.done $0x0;
	s24 =	rddreg [dreg:$0x8]  }
0xd7: {  	s30 =	rddreg [dreg:$0x10];
	[sflag:s17] =	ssyncadd.s32 $0xFFFFFB00  }
0xd8: {  	[hbm:s24], [sflag:s0] =	dma.local [spmem:s30], $0x500  }
0xd9: {  	_ =	swait.ge [sflag:s17], $0x500  }
0xda: {  	[sflag:s17] =	ssyncset.done $0x0;
	s24 =	rddreg [dreg:$0x9]  }
0xdb: {  	s30 =	rddreg [dreg:$0x11];
	[sflag:s17] =	ssyncadd.s32 $0xFFFFFB00  }
0xdc: {  	[hbm:s24], [sflag:s0] =	dma.local [spmem:s30], $0x500  }
0xdd: {  	_ =	swait.ge [sflag:s17], $0x500  }
0xde: {  	[sflag:s17] =	ssyncset.done $0x0;
	s24 =	rddreg [dreg:$0xa]  }
0xdf: {  	s30 =	rddreg [dreg:$0x12];
	[sflag:s17] =	ssyncadd.s32 $0xFFFFFB00  }
0xe0: {  	[hbm:s24], [sflag:s0] =	dma.local [spmem:s30], $0x500  }
0xe1: {  	_ =	swait.ge [sflag:s17], $0x500  }
0xe2: {  	[sflag:s17] =	ssyncset.done $0x0;
	s24 =	rddreg [dreg:$0xb]  }
0xe3: {  	s30 =	rddreg [dreg:$0x13];
	[sflag:s17] =	ssyncadd.s32 $0xFFFFFB00  }
0xe4: {  	[hbm:s24], [sflag:s0] =	dma.local [spmem:s30], $0x500  }
0xe5: {  	_ =	swait.ge [sflag:s17], $0x500  }
0xe6: {  	[sflag:s17] =	ssyncset.done $0x0;
	s24 =	rddreg [dreg:$0xc]  }
0xe7: {  	s30 =	rddreg [dreg:$0x14];
	[sflag:s17] =	ssyncadd.s32 $0xFFFFFB00  }
0xe8: {  	[hbm:s24], [sflag:s0] =	dma.local [spmem:s30], $0x500  }
0xe9: {  	_ =	swait.ge [sflag:s17], $0x500  }
0xea: {  	[sflag:s17] =	ssyncset.done $0x0;
	s11 =	rddreg [dreg:$0xd]  }
0xeb: {  	s24 =	rddreg [dreg:$0x15];
	[sflag:s17] =	ssyncadd.s32 $0xFFFFFB00  }
0xec: {  	[hbm:s11], [sflag:s0] =	dma.local [spmem:s24], $0x500  }
0xed: {  	_ =	swait.ge [sflag:s17], $0x500  }
0xee: {  	[sflag:s17] =	ssyncset.done $0x0;
	s9 =	rddreg [dreg:$0xe]  }
0xef: {  	s11 =	rddreg [dreg:$0x16];
	[sflag:s17] =	ssyncadd.s32 $0xFFFFFB00  }
0xf0: {  	[hbm:s9], [sflag:s0] =	dma.local @!p0 [spmem:s11], $0x500  }
0xf1: {  	s0 =	simm.s32 @!p0 $0xB  }
0xf2: {  	_ =	swait.ge @!p0 [sflag:s0], $0x500  }
0xf3: {  	s24 =	rddreg [dreg:$0x4]  }
0xf4: {  	s30 =	rddreg [dreg:$0x5];
	s24 =	sadd.s32 $0x1, s24  }
0xf5: {  	p1 =	sne.s32 s24, s30  }
.Ltmp4:
0xf6: {  	_ = 	snop;
	(pc) =	sbr.rel @p1 .LBB2_1-.Ltmp4, $3  }
0xf7: {  	_ =	sdelay $0x1  }
0xf8: {  	[sflag:s0] =	ssyncset.done @!p0 $0x0  }
0xf9: {  	[sflag:s0] =	ssyncadd.s32 @!p0 $0xFFFFFB00  }
0xfa: {  	_ =	sfence.sel $0x180000  }
0xfb: {  	[bflag:$0x0] =	sbarrier.arrive $0xFFFF  }
0xfc: {  	_ =	strace $0x9000004A  }
0xfd: {  	[bflag:$0x2] =	sbarrier.arrive $0xFFFF  }
0xfe: {  	p0 =	sne.s32 s1, $0x0;
	s0 =	rddreg [dreg:$0x3]  }
0xff: {  	s0 =	sadd.s32 @!p0 $0x100000, s0  }
0x100: {  	[sflag:s0] =	ssyncadd.tile.s32 @!p0 $0x1;
	_ =	shalt  }
.Lfunc_end2:
_tile_overlayer_lowered:
.L_overlay_start_2:
0x101: {  	(tag) =	ssettag $0x2  }
0x102: {  	s0 =	rddreg [dreg:$0x0];
	s2 =	stileid.u32  }
0x103: {  	s1 =	rddreg [dreg:$0x1];
	p0 =	sne.s32 s2, $0x0  }
0x104: {  	s3 =	rddreg [dreg:$0x2];
	[bflag:$0x3] =	sbarrier.arrive $0xFFFF;
	s2 =	simm.s32 @!p0 $0x1C0B  }
0x105: {  	[timem:s3], [sflag:s2] =	dma.local @!p0 [hbm:s0], s1  }
0x106: {  	s0 =	simm.s32 @!p0 $0xB  }
0x107: {  	_ =	swait.ge @!p0 [sflag:s0], s1  }
0x108: {  	s1 =	ssub.s32 @!p0 $0x0, s1;
	[sflag:s0] =	ssyncset.done @!p0 $0x0  }
0x109: {  	[sflag:s0] =	ssyncadd.s32 @!p0 s1  }
0x10a: {  	[bflag:$0x3] =	sbarrier.arrive $0xFFFF  }
0x10b: {  	_ =	shalt  }

</sc_bundles>
